<compile_context>
chip_gen: v7x
topology: tpu7x:2x2x1
jax: 0.10.2.dev20260603
libtpu: 0.0.44.dev20260713+nightly
codegen_flags: <defaults>
</compile_context>

<pallas_src>
import functools

import jax
import jax.numpy as jnp
from jax import lax
from jax.experimental import pallas as pl
from jax.experimental.pallas import tpu as pltpu
from jax.experimental.pallas import tpu_sc as plsc

NC = 2
NS = 16
NW = NC * NS
M = 128
L = 16


@functools.partial(jax.jit, static_argnames=("n_steps", "nbt", "b1"))
def _sc_gather(weight, idx, n_steps, nbt, b1):
    V, D = weight.shape
    KH = D // 8

    mesh = plsc.VectorSubcoreMesh(core_axis_name="c", subcore_axis_name="s")

    @functools.partial(
        pl.kernel,
        out_type=jax.ShapeDtypeStruct((b1, KH, nbt, 8, M), jnp.float32),
        mesh=mesh,
        scratch_types=[
            pltpu.VMEM((n_steps, M), jnp.int32),
            [pltpu.VMEM((M, D), jnp.float32) for _ in range(4)],
            [pltpu.VMEM((KH, 8, M + 1), jnp.float32) for _ in range(2)],
            pltpu.SemaphoreType.DMA,
            pltpu.SemaphoreType.DMA,
        ],
        compiler_params=pltpu.CompilerParams(
            use_tc_tiling_on_sc=False, needs_layout_passes=False,
            disable_bounds_checks=True),
    )
    def k(table_hbm, idx_hbm, out_hbm, idx_v, rows, ts, gsem, wsem):
        wid = lax.axis_index("s") * NC + lax.axis_index("c")
        pltpu.sync_copy(idx_hbm.at[wid], idx_v)
        cbase = wid * n_steps

        lane = lax.iota(jnp.int32, L)
        jt_idx = [2 * q + lax.shift_right_logical(lane, 3) for q in range(D // L)]
        jm_idx = lax.bitwise_and(lane, 7)

        for b in range(3):
            pltpu.async_copy(table_hbm.at[idx_v.at[b]], rows[b], gsem)

        @pl.loop(0, n_steps, step=4)
        def _(i):
            for b in range(4):
                j = i + b
                tb = b % 2
                pltpu.make_async_copy(table_hbm.at[pl.ds(0, M)], rows[b], gsem).wait()

                @pl.when(j >= 2)
                def _():
                    pltpu.make_async_copy(ts[tb].at[:, :, pl.ds(0, M)], out_hbm.at[0, :, 0], wsem).wait()

                @pl.when(j + 3 < n_steps)
                def _():
                    pltpu.async_copy(table_hbm.at[idx_v.at[j + 3]],
                                     rows[(b - 1) % 4], gsem)

                @plsc.parallel_loop(0, M, unroll=8)
                def _(bm):
                    sb = jnp.full((L,), 1, jnp.int32) * bm
                    for q in range(D // L):
                        val = rows[b][bm, pl.ds(L * q, L)]
                        plsc.store_scatter(ts[tb], [jt_idx[q], jm_idx, sb], val)

                c = cbase + j
                s = c // nbt
                bt = lax.rem(c, nbt)
                pltpu.async_copy(
                    ts[tb].at[:, :, pl.ds(0, M)], out_hbm.at[s, :, bt], wsem)

        for b in range(2):
            pltpu.make_async_copy(ts[b].at[:, :, pl.ds(0, M)], out_hbm.at[0, :, 0], wsem).wait()

    return k(weight, idx)


def kernel(x, weight):
    B0, B1 = x.shape
    V, D = weight.shape
    nbt = B0 // M
    n_steps = B1 * nbt // NW
    xt = jnp.swapaxes(x, 0, 1).astype(jnp.int32)
    idx = xt.reshape(NW, n_steps, M)
    out5 = _sc_gather(weight, idx, n_steps, nbt, B1)
    return out5.transpose(2, 4, 0, 1, 3).reshape(B0, B1, D)

# --- scband reference (transcript-rebuilt; emitter-appended) ---
"""Pipeline reference for scband-regularized-embedding-3891240370713 (READ-ONLY COPY).

The authoritative reference and input builder live on the scoring server;
editing this copy changes nothing except your own understanding.
"""

import jax, jax.numpy as jnp
import numpy as np

N_INPUT = 1000000
N_OUTPUT = 64
SIGMA = 0.0

def setup_inputs(seed: int = 0) -> dict:
    key = jax.random.key(seed)
    k_idx, k_w = jax.random.split(key)
    x = jax.random.randint(k_idx, (16384, 50), 0, N_INPUT, dtype=jnp.int64 if jax.config.jax_enable_x64 else jnp.int32)
    # nn.Embedding default init: N(0, 1)
    weight = jax.random.normal(k_w, (N_INPUT, N_OUTPUT), dtype=jnp.float32)
    return {"x": x, "weight": weight}

def reference(x, weight):
    # Embedding lookup; sigma=0.0 and eval mode means no noise is added.
    out = jnp.take(weight, x, axis=0)
    return out

if __name__ == "__main__":
    import jax
    _d = setup_inputs()
    print(jax.jit(kernel)(*tuple(_d.values())))

</pallas_src>

<mosaic_0001>
#map = affine_map<(d0, d1) -> (0, 0)>
#map1 = affine_map<(d0, d1) -> (0, 0, 0)>
#map2 = affine_map<(d0, d1) -> (0, 0, 0, 0, 0)>
module attributes {stable_mosaic.version = 14 : i64} {
  func.func @k(%arg0: i32, %arg1: i32, %arg2: memref<1000000x64xf32, #tpu.memory_space<hbm>>, %arg3: memref<32x200x128xi32, #tpu.memory_space<hbm>>, %arg4: memref<50x8x128x8x128xf32, #tpu.memory_space<hbm>>, %arg5: memref<200x128xi32, #tpu.memory_space<vmem>>, %arg6: memref<128x64xf32, #tpu.memory_space<vmem>>, %arg7: memref<128x64xf32, #tpu.memory_space<vmem>>, %arg8: memref<128x64xf32, #tpu.memory_space<vmem>>, %arg9: memref<128x64xf32, #tpu.memory_space<vmem>>, %arg10: memref<8x8x129xf32, #tpu.memory_space<vmem>>, %arg11: memref<8x8x129xf32, #tpu.memory_space<vmem>>, %arg12: memref<!tpu.dma_semaphore, #tpu.memory_space<semaphore_mem>>, %arg13: memref<!tpu.dma_semaphore, #tpu.memory_space<semaphore_mem>>) attributes {dimension_semantics = [#tpu.dimension_semantics<core_parallel>, #tpu.dimension_semantics<subcore_parallel>], iteration_bounds = array<i64: 2, 16>, scalar_prefetch = 0 : i64, scratch_operands = 9 : i64, tpu.core_type = #tpu.core_type<sc_vector_subcore>, window_params = [{transform_indices = #map}, {transform_indices = #map1}, {transform_indices = #map2}]} {
    %mul3A = arith.constant 2 : i32
    %mul3A_0 = arith.muli %arg1, %mul3A : i32
    %add3A = arith.addi %mul3A_0, %arg0 : i32
    "tpu.region"() ({
      %run_scoped3A = tpu.sem_alloc : memref<!tpu.dma_semaphore, #tpu.memory_space<semaphore_mem>>
      %dma_start3A_91 = arith.constant 0 : i32
      %dma_start3A_92 = arith.constant 0 : i32
      %dma_start3A_93 = tpu.memref_slice %arg3[%add3A, %dma_start3A_91, %dma_start3A_92] : memref<32x200x128xi32, #tpu.memory_space<hbm>> -> memref<1x200x128xi32, #tpu.memory_space<hbm>>
      %dma_start3A_94 = tpu.memref_squeeze %dma_start3A_93 : memref<1x200x128xi32, #tpu.memory_space<hbm>> -> memref<200x128xi32, #tpu.memory_space<hbm>>
      %dma_start3A_95 = arith.constant 0 : i32
      %dma_start3A_96 = arith.constant 0 : i32
      %dma_start3A_97 = tpu.memref_slice %arg3[%add3A, %dma_start3A_95, %dma_start3A_96] : memref<32x200x128xi32, #tpu.memory_space<hbm>> -> memref<1x200x128xi32, #tpu.memory_space<hbm>>
      %dma_start3A_98 = tpu.memref_squeeze %dma_start3A_97 : memref<1x200x128xi32, #tpu.memory_space<hbm>> -> memref<200x128xi32, #tpu.memory_space<hbm>>
      tpu.enqueue_dma source(%dma_start3A_98 : memref<200x128xi32, #tpu.memory_space<hbm>>) target(%arg5 : memref<200x128xi32, #tpu.memory_space<vmem>>) target_semaphore(%run_scoped3A : memref<!tpu.dma_semaphore, #tpu.memory_space<semaphore_mem>>)
      %dma_wait3A_99 = arith.constant 0 : i32
      %dma_wait3A_100 = arith.constant 0 : i32
      %dma_wait3A_101 = tpu.memref_slice %arg3[%add3A, %dma_wait3A_99, %dma_wait3A_100] : memref<32x200x128xi32, #tpu.memory_space<hbm>> -> memref<1x200x128xi32, #tpu.memory_space<hbm>>
      %dma_wait3A_102 = tpu.memref_squeeze %dma_wait3A_101 : memref<1x200x128xi32, #tpu.memory_space<hbm>> -> memref<200x128xi32, #tpu.memory_space<hbm>>
      %dma_wait3A_103 = arith.constant 0 : i32
      %dma_wait3A_104 = arith.constant 0 : i32
      %dma_wait3A_105 = tpu.memref_slice %arg3[%add3A, %dma_wait3A_103, %dma_wait3A_104] : memref<32x200x128xi32, #tpu.memory_space<hbm>> -> memref<1x200x128xi32, #tpu.memory_space<hbm>>
      %dma_wait3A_106 = tpu.memref_squeeze %dma_wait3A_105 : memref<1x200x128xi32, #tpu.memory_space<hbm>> -> memref<200x128xi32, #tpu.memory_space<hbm>>
      tpu.wait_dma2 semaphore(%run_scoped3A : memref<!tpu.dma_semaphore, #tpu.memory_space<semaphore_mem>>) src(%dma_wait3A_106 : memref<200x128xi32, #tpu.memory_space<hbm>>) dst(%arg5 : memref<200x128xi32, #tpu.memory_space<vmem>>)
      tpu.yield
    }) : () -> ()
    %mul3A_1 = arith.constant 200 : i32
    %mul3A_2 = arith.muli %add3A, %mul3A_1 : i32
    %iota3A = tpu.iota {dimensions = array<i32: 0>} : vector<16xi32>
    %shift_right_logical3A = arith.constant 3 : i32
    %shift_right_logical3A_3 = vector.broadcast %shift_right_logical3A : i32 to vector<16xi32>
    %shift_right_logical3A_4 = arith.shrui %iota3A, %shift_right_logical3A_3 : vector<16xi32>
    %add3A_5 = arith.constant 0 : i32
    %add3A_6 = vector.broadcast %add3A_5 : i32 to vector<16xi32>
    %add3A_7 = arith.addi %add3A_6, %shift_right_logical3A_4 : vector<16xi32>
    %shift_right_logical3A_8 = arith.constant 3 : i32
    %shift_right_logical3A_9 = vector.broadcast %shift_right_logical3A_8 : i32 to vector<16xi32>
    %shift_right_logical3A_10 = arith.shrui %iota3A, %shift_right_logical3A_9 : vector<16xi32>
    %add3A_11 = arith.constant 2 : i32
    %add3A_12 = vector.broadcast %add3A_11 : i32 to vector<16xi32>
    %add3A_13 = arith.addi %add3A_12, %shift_right_logical3A_10 : vector<16xi32>
    %shift_right_logical3A_14 = arith.constant 3 : i32
    %shift_right_logical3A_15 = vector.broadcast %shift_right_logical3A_14 : i32 to vector<16xi32>
    %shift_right_logical3A_16 = arith.shrui %iota3A, %shift_right_logical3A_15 : vector<16xi32>
    %add3A_17 = arith.constant 4 : i32
    %add3A_18 = vector.broadcast %add3A_17 : i32 to vector<16xi32>
    %add3A_19 = arith.addi %add3A_18, %shift_right_logical3A_16 : vector<16xi32>
    %shift_right_logical3A_20 = arith.constant 3 : i32
    %shift_right_logical3A_21 = vector.broadcast %shift_right_logical3A_20 : i32 to vector<16xi32>
    %shift_right_logical3A_22 = arith.shrui %iota3A, %shift_right_logical3A_21 : vector<16xi32>
    %add3A_23 = arith.constant 6 : i32
    %add3A_24 = vector.broadcast %add3A_23 : i32 to vector<16xi32>
    %add3A_25 = arith.addi %add3A_24, %shift_right_logical3A_22 : vector<16xi32>
    %and3A = arith.constant 7 : i32
    %and3A_26 = vector.broadcast %and3A : i32 to vector<16xi32>
    %and3A_27 = arith.andi %iota3A, %and3A_26 : vector<16xi32>
    %dma_start3A = arith.constant 0 : i32
    %dma_start3A_28 = arith.constant 0 : i32
    %dma_start3A_29 = tpu.memref_slice %arg5[%dma_start3A, %dma_start3A_28] : memref<200x128xi32, #tpu.memory_space<vmem>> -> memref<1x128xi32, #tpu.memory_space<vmem>>
    %dma_start3A_30 = tpu.memref_squeeze %dma_start3A_29 : memref<1x128xi32, #tpu.memory_space<vmem>> -> memref<128xi32, #tpu.memory_space<vmem>>
    %dma_start3A_31 = arith.constant 0 : i32
    %dma_start3A_32 = arith.constant 0 : i32
    %dma_start3A_33 = tpu.memref_slice %arg2[%dma_start3A_31, %dma_start3A_32] : memref<1000000x64xf32, #tpu.memory_space<hbm>> -> memref<1000000x64xf32, #tpu.memory_space<hbm>>
    tpu.enqueue_indirect_dma source(%dma_start3A_33 : memref<1000000x64xf32, #tpu.memory_space<hbm>>) target(%arg6 : memref<128x64xf32, #tpu.memory_space<vmem>>) offsets(%dma_start3A_30 : memref<128xi32, #tpu.memory_space<vmem>>) semaphore(%arg12 : memref<!tpu.dma_semaphore, #tpu.memory_space<semaphore_mem>>)
    %dma_start3A_34 = arith.constant 1 : i32
    %dma_start3A_35 = arith.constant 0 : i32
    %dma_start3A_36 = tpu.memref_slice %arg5[%dma_start3A_34, %dma_start3A_35] : memref<200x128xi32, #tpu.memory_space<vmem>> -> memref<1x128xi32, #tpu.memory_space<vmem>>
    %dma_start3A_37 = tpu.memref_squeeze %dma_start3A_36 : memref<1x128xi32, #tpu.memory_space<vmem>> -> memref<128xi32, #tpu.memory_space<vmem>>
    %dma_start3A_38 = arith.constant 0 : i32
    %dma_start3A_39 = arith.constant 0 : i32
    %dma_start3A_40 = tpu.memref_slice %arg2[%dma_start3A_38, %dma_start3A_39] : memref<1000000x64xf32, #tpu.memory_space<hbm>> -> memref<1000000x64xf32, #tpu.memory_space<hbm>>
    tpu.enqueue_indirect_dma source(%dma_start3A_40 : memref<1000000x64xf32, #tpu.memory_space<hbm>>) target(%arg7 : memref<128x64xf32, #tpu.memory_space<vmem>>) offsets(%dma_start3A_37 : memref<128xi32, #tpu.memory_space<vmem>>) semaphore(%arg12 : memref<!tpu.dma_semaphore, #tpu.memory_space<semaphore_mem>>)
    %dma_start3A_41 = arith.constant 2 : i32
    %dma_start3A_42 = arith.constant 0 : i32
    %dma_start3A_43 = tpu.memref_slice %arg5[%dma_start3A_41, %dma_start3A_42] : memref<200x128xi32, #tpu.memory_space<vmem>> -> memref<1x128xi32, #tpu.memory_space<vmem>>
    %dma_start3A_44 = tpu.memref_squeeze %dma_start3A_43 : memref<1x128xi32, #tpu.memory_space<vmem>> -> memref<128xi32, #tpu.memory_space<vmem>>
    %dma_start3A_45 = arith.constant 0 : i32
    %dma_start3A_46 = arith.constant 0 : i32
    %dma_start3A_47 = tpu.memref_slice %arg2[%dma_start3A_45, %dma_start3A_46] : memref<1000000x64xf32, #tpu.memory_space<hbm>> -> memref<1000000x64xf32, #tpu.memory_space<hbm>>
    tpu.enqueue_indirect_dma source(%dma_start3A_47 : memref<1000000x64xf32, #tpu.memory_space<hbm>>) target(%arg8 : memref<128x64xf32, #tpu.memory_space<vmem>>) offsets(%dma_start3A_44 : memref<128xi32, #tpu.memory_space<vmem>>) semaphore(%arg12 : memref<!tpu.dma_semaphore, #tpu.memory_space<semaphore_mem>>)
    %scan3A = arith.constant 0 : i32
    %scan3A_48 = arith.constant 50 : i32
    %scan3A_49 = arith.addi %scan3A, %scan3A_48 : i32
    %scan3A_50 = arith.constant 1 : i32
    scf.for %scan3A_91 = %scan3A to %scan3A_49 step %scan3A_50  : i32 {
      %mul3A_92 = arith.constant 4 : i32
      %mul3A_93 = arith.muli %scan3A_91, %mul3A_92 : i32
      %add3A_94 = arith.constant 0 : i32
      %add3A_95 = arith.addi %add3A_94, %mul3A_93 : i32
      %add3A_96 = arith.constant 0 : i32
      %add3A_97 = arith.addi %add3A_95, %add3A_96 : i32
      %dma_wait3A_98 = arith.constant 0 : i32
      %dma_wait3A_99 = arith.constant 0 : i32
      %dma_wait3A_100 = tpu.memref_slice %arg2[%dma_wait3A_98, %dma_wait3A_99] : memref<1000000x64xf32, #tpu.memory_space<hbm>> -> memref<128x64xf32, #tpu.memory_space<hbm>>
      %dma_wait3A_101 = arith.constant 0 : i32
      %dma_wait3A_102 = arith.constant 0 : i32
      %dma_wait3A_103 = tpu.memref_slice %arg2[%dma_wait3A_101, %dma_wait3A_102] : memref<1000000x64xf32, #tpu.memory_space<hbm>> -> memref<128x64xf32, #tpu.memory_space<hbm>>
      tpu.wait_dma2 semaphore(%arg12 : memref<!tpu.dma_semaphore, #tpu.memory_space<semaphore_mem>>) src(%dma_wait3A_103 : memref<128x64xf32, #tpu.memory_space<hbm>>) dst(%arg6 : memref<128x64xf32, #tpu.memory_space<vmem>>)
      %ge3A = arith.constant 2 : i32
      %ge3A_104 = arith.cmpi sge, %add3A_97, %ge3A : i32
      %convert_element_type3A = arith.extui %ge3A_104 : i1 to i32
      %cond3A = arith.constant 0 : i32
      %cond3A_105 = arith.cmpi ne, %convert_element_type3A, %cond3A : i32
      scf.if %cond3A_105 {
        %dma_wait3A_356 = arith.constant 0 : i32
        %dma_wait3A_357 = arith.constant 0 : i32
        %dma_wait3A_358 = arith.constant 0 : i32
        %dma_wait3A_359 = arith.constant 0 : i32
        %dma_wait3A_360 = arith.constant 0 : i32
        %dma_wait3A_361 = tpu.memref_slice %arg10[%dma_wait3A_358, %dma_wait3A_359, %dma_wait3A_360] : memref<8x8x129xf32, #tpu.memory_space<vmem>> -> memref<8x8x128xf32, #tpu.memory_space<vmem>>
        %dma_wait3A_362 = arith.constant 0 : i32
        %dma_wait3A_363 = arith.constant 0 : i32
        %dma_wait3A_364 = arith.constant 0 : i32
        %dma_wait3A_365 = tpu.memref_slice %arg4[%dma_wait3A_356, %dma_wait3A_362, %dma_wait3A_357, %dma_wait3A_363, %dma_wait3A_364] : memref<50x8x128x8x128xf32, #tpu.memory_space<hbm>> -> memref<1x8x1x8x128xf32, #tpu.memory_space<hbm>>
        %dma_wait3A_366 = tpu.memref_squeeze %dma_wait3A_365 : memref<1x8x1x8x128xf32, #tpu.memory_space<hbm>> -> memref<8x8x128xf32, #tpu.memory_space<hbm>>
        %dma_wait3A_367 = arith.constant 0 : i32
        %dma_wait3A_368 = arith.constant 0 : i32
        %dma_wait3A_369 = arith.constant 0 : i32
        %dma_wait3A_370 = tpu.memref_slice %arg4[%dma_wait3A_356, %dma_wait3A_367, %dma_wait3A_357, %dma_wait3A_368, %dma_wait3A_369] : memref<50x8x128x8x128xf32, #tpu.memory_space<hbm>> -> memref<1x8x1x8x128xf32, #tpu.memory_space<hbm>>
        %dma_wait3A_371 = tpu.memref_squeeze %dma_wait3A_370 : memref<1x8x1x8x128xf32, #tpu.memory_space<hbm>> -> memref<8x8x128xf32, #tpu.memory_space<hbm>>
        %dma_wait3A_372 = arith.constant 0 : i32
        %dma_wait3A_373 = arith.constant 0 : i32
        %dma_wait3A_374 = arith.constant 0 : i32
        %dma_wait3A_375 = tpu.memref_slice %arg10[%dma_wait3A_372, %dma_wait3A_373, %dma_wait3A_374] : memref<8x8x129xf32, #tpu.memory_space<vmem>> -> memref<8x8x128xf32, #tpu.memory_space<vmem>>
        tpu.wait_dma2 semaphore(%arg13 : memref<!tpu.dma_semaphore, #tpu.memory_space<semaphore_mem>>) src(%dma_wait3A_375 : memref<8x8x128xf32, #tpu.memory_space<vmem>>) dst(%dma_wait3A_371 : memref<8x8x128xf32, #tpu.memory_space<hbm>>)
      } else {
      }
      %add3A_106 = arith.constant 3 : i32
      %add3A_107 = arith.addi %add3A_97, %add3A_106 : i32
      %lt3A = arith.constant 200 : i32
      %lt3A_108 = arith.cmpi slt, %add3A_107, %lt3A : i32
      %convert_element_type3A_109 = arith.extui %lt3A_108 : i1 to i32
      %cond3A_110 = arith.constant 0 : i32
      %cond3A_111 = arith.cmpi ne, %convert_element_type3A_109, %cond3A_110 : i32
      scf.if %cond3A_111 {
        %add3A_356 = arith.constant 3 : i32
        %add3A_357 = arith.addi %add3A_97, %add3A_356 : i32
        %dma_start3A_358 = arith.constant 0 : i32
        %dma_start3A_359 = tpu.memref_slice %arg5[%add3A_357, %dma_start3A_358] : memref<200x128xi32, #tpu.memory_space<vmem>> -> memref<1x128xi32, #tpu.memory_space<vmem>>
        %dma_start3A_360 = tpu.memref_squeeze %dma_start3A_359 : memref<1x128xi32, #tpu.memory_space<vmem>> -> memref<128xi32, #tpu.memory_space<vmem>>
        %dma_start3A_361 = arith.constant 0 : i32
        %dma_start3A_362 = arith.constant 0 : i32
        %dma_start3A_363 = tpu.memref_slice %arg2[%dma_start3A_361, %dma_start3A_362] : memref<1000000x64xf32, #tpu.memory_space<hbm>> -> memref<1000000x64xf32, #tpu.memory_space<hbm>>
        tpu.enqueue_indirect_dma source(%dma_start3A_363 : memref<1000000x64xf32, #tpu.memory_space<hbm>>) target(%arg9 : memref<128x64xf32, #tpu.memory_space<vmem>>) offsets(%dma_start3A_360 : memref<128xi32, #tpu.memory_space<vmem>>) semaphore(%arg12 : memref<!tpu.dma_semaphore, #tpu.memory_space<semaphore_mem>>)
      } else {
      }
      %parallel_loop3A = arith.constant 0 : i32
      %parallel_loop3A_112 = arith.constant 128 : i32
      %parallel_loop3A_113 = arith.constant 1 : i32
      scf.for %parallel_loop3A_356 = %parallel_loop3A to %parallel_loop3A_112 step %parallel_loop3A_113  : i32 {
        %parallel_loop3A_357 = arith.constant 1 : i32
        %parallel_loop3A_358 = vector.broadcast %parallel_loop3A_357 : i32 to vector<16xi32>
        %parallel_loop3A_359 = vector.broadcast %parallel_loop3A_356 : i32 to vector<16xi32>
        %parallel_loop3A_360 = arith.muli %parallel_loop3A_358, %parallel_loop3A_359 : vector<16xi32>
        %parallel_loop3A_361 = arith.index_cast %parallel_loop3A_356 : i32 to index
        %parallel_loop3A_362 = arith.constant 0 : index
        %parallel_loop3A_363 = tpu.vector_load %arg6[%parallel_loop3A_361, %parallel_loop3A_362] {strides = array<i32>} : memref<128x64xf32, #tpu.memory_space<vmem>>, vector<16xf32>,
        tpu.vector_store_idx %arg10[%add3A_7, %and3A_27, %parallel_loop3A_360], %parallel_loop3A_363 : memref<8x8x129xf32, #tpu.memory_space<vmem>>[vector<16xi32>, vector<16xi32>, vector<16xi32>], vector<16xf32>,
        %parallel_loop3A_364 = arith.index_cast %parallel_loop3A_356 : i32 to index
        %parallel_loop3A_365 = arith.constant 16 : index
        %parallel_loop3A_366 = tpu.vector_load %arg6[%parallel_loop3A_364, %parallel_loop3A_365] {strides = array<i32>} : memref<128x64xf32, #tpu.memory_space<vmem>>, vector<16xf32>,
        tpu.vector_store_idx %arg10[%add3A_13, %and3A_27, %parallel_loop3A_360], %parallel_loop3A_366 : memref<8x8x129xf32, #tpu.memory_space<vmem>>[vector<16xi32>, vector<16xi32>, vector<16xi32>], vector<16xf32>,
        %parallel_loop3A_367 = arith.index_cast %parallel_loop3A_356 : i32 to index
        %parallel_loop3A_368 = arith.constant 32 : index
        %parallel_loop3A_369 = tpu.vector_load %arg6[%parallel_loop3A_367, %parallel_loop3A_368] {strides = array<i32>} : memref<128x64xf32, #tpu.memory_space<vmem>>, vector<16xf32>,
        tpu.vector_store_idx %arg10[%add3A_19, %and3A_27, %parallel_loop3A_360], %parallel_loop3A_369 : memref<8x8x129xf32, #tpu.memory_space<vmem>>[vector<16xi32>, vector<16xi32>, vector<16xi32>], vector<16xf32>,
        %parallel_loop3A_370 = arith.index_cast %parallel_loop3A_356 : i32 to index
        %parallel_loop3A_371 = arith.constant 48 : index
        %parallel_loop3A_372 = tpu.vector_load %arg6[%parallel_loop3A_370, %parallel_loop3A_371] {strides = array<i32>} : memref<128x64xf32, #tpu.memory_space<vmem>>, vector<16xf32>,
        tpu.vector_store_idx %arg10[%add3A_25, %and3A_27, %parallel_loop3A_360], %parallel_loop3A_372 : memref<8x8x129xf32, #tpu.memory_space<vmem>>[vector<16xi32>, vector<16xi32>, vector<16xi32>], vector<16xf32>,
      } {sc.loop_unroll_factor = 8 : i64, sc.parallel_access}
      %add3A_114 = arith.addi %mul3A_2, %add3A_97 : i32
      %jit3A = arith.constant 128 : i32
      %div3A = arith.divsi %add3A_114, %jit3A : i32
      %sign3A = arith.constant 0 : i32
      %sign3A_115 = arith.cmpi sgt, %add3A_114, %sign3A : i32
      %sign3A_116 = arith.extui %sign3A_115 : i1 to i32
      %sign3A_117 = arith.constant 0 : i32
      %sign3A_118 = arith.cmpi slt, %add3A_114, %sign3A_117 : i32
      %sign3A_119 = arith.extui %sign3A_118 : i1 to i32
      %sign3A_120 = arith.subi %sign3A_116, %sign3A_119 : i32
      %sign3A_121 = arith.constant 0 : i32
      %sign3A_122 = arith.cmpi sgt, %jit3A, %sign3A_121 : i32
      %sign3A_123 = arith.extui %sign3A_122 : i1 to i32
      %sign3A_124 = arith.constant 0 : i32
      %sign3A_125 = arith.cmpi slt, %jit3A, %sign3A_124 : i32
      %sign3A_126 = arith.extui %sign3A_125 : i1 to i32
      %sign3A_127 = arith.subi %sign3A_123, %sign3A_126 : i32
      %ne3A = arith.cmpi ne, %sign3A_120, %sign3A_127 : i32
      %rem3A = arith.remsi %add3A_114, %jit3A : i32
      %ne3A_128 = arith.constant 0 : i32
      %ne3A_129 = arith.cmpi ne, %rem3A, %ne3A_128 : i32
      %and3A_130 = arith.andi %ne3A, %ne3A_129 : i1
      %sub3A = arith.constant 1 : i32
      %sub3A_131 = arith.subi %div3A, %sub3A : i32
      %select_n3A = arith.select %and3A_130, %sub3A_131, %div3A : i32
      %rem3A_132 = arith.constant 128 : i32
      %rem3A_133 = arith.remsi %add3A_114, %rem3A_132 : i32
      %dma_start3A_134 = arith.constant 0 : i32
      %dma_start3A_135 = arith.constant 0 : i32
      %dma_start3A_136 = arith.constant 0 : i32
      %dma_start3A_137 = tpu.memref_slice %arg10[%dma_start3A_134, %dma_start3A_135, %dma_start3A_136] : memref<8x8x129xf32, #tpu.memory_space<vmem>> -> memref<8x8x128xf32, #tpu.memory_space<vmem>>
      %dma_start3A_138 = arith.constant 0 : i32
      %dma_start3A_139 = arith.constant 0 : i32
      %dma_start3A_140 = arith.constant 0 : i32
      %dma_start3A_141 = tpu.memref_slice %arg4[%select_n3A, %dma_start3A_138, %rem3A_133, %dma_start3A_139, %dma_start3A_140] : memref<50x8x128x8x128xf32, #tpu.memory_space<hbm>> -> memref<1x8x1x8x128xf32, #tpu.memory_space<hbm>>
      %dma_start3A_142 = tpu.memref_squeeze %dma_start3A_141 : memref<1x8x1x8x128xf32, #tpu.memory_space<hbm>> -> memref<8x8x128xf32, #tpu.memory_space<hbm>>
      %dma_start3A_143 = arith.constant 0 : i32
      %dma_start3A_144 = arith.constant 0 : i32
      %dma_start3A_145 = arith.constant 0 : i32
      %dma_start3A_146 = tpu.memref_slice %arg4[%select_n3A, %dma_start3A_143, %rem3A_133, %dma_start3A_144, %dma_start3A_145] : memref<50x8x128x8x128xf32, #tpu.memory_space<hbm>> -> memref<1x8x1x8x128xf32, #tpu.memory_space<hbm>>
      %dma_start3A_147 = tpu.memref_squeeze %dma_start3A_146 : memref<1x8x1x8x128xf32, #tpu.memory_space<hbm>> -> memref<8x8x128xf32, #tpu.memory_space<hbm>>
      %dma_start3A_148 = arith.constant 0 : i32
      %dma_start3A_149 = arith.constant 0 : i32
      %dma_start3A_150 = arith.constant 0 : i32
      %dma_start3A_151 = tpu.memref_slice %arg10[%dma_start3A_148, %dma_start3A_149, %dma_start3A_150] : memref<8x8x129xf32, #tpu.memory_space<vmem>> -> memref<8x8x128xf32, #tpu.memory_space<vmem>>
      tpu.enqueue_dma source(%dma_start3A_151 : memref<8x8x128xf32, #tpu.memory_space<vmem>>) target(%dma_start3A_147 : memref<8x8x128xf32, #tpu.memory_space<hbm>>) target_semaphore(%arg13 : memref<!tpu.dma_semaphore, #tpu.memory_space<semaphore_mem>>)
      %add3A_152 = arith.constant 1 : i32
      %add3A_153 = arith.addi %add3A_95, %add3A_152 : i32
      %dma_wait3A_154 = arith.constant 0 : i32
      %dma_wait3A_155 = arith.constant 0 : i32
      %dma_wait3A_156 = tpu.memref_slice %arg2[%dma_wait3A_154, %dma_wait3A_155] : memref<1000000x64xf32, #tpu.memory_space<hbm>> -> memref<128x64xf32, #tpu.memory_space<hbm>>
      %dma_wait3A_157 = arith.constant 0 : i32
      %dma_wait3A_158 = arith.constant 0 : i32
      %dma_wait3A_159 = tpu.memref_slice %arg2[%dma_wait3A_157, %dma_wait3A_158] : memref<1000000x64xf32, #tpu.memory_space<hbm>> -> memref<128x64xf32, #tpu.memory_space<hbm>>
      tpu.wait_dma2 semaphore(%arg12 : memref<!tpu.dma_semaphore, #tpu.memory_space<semaphore_mem>>) src(%dma_wait3A_159 : memref<128x64xf32, #tpu.memory_space<hbm>>) dst(%arg7 : memref<128x64xf32, #tpu.memory_space<vmem>>)
      %ge3A_160 = arith.constant 2 : i32
      %ge3A_161 = arith.cmpi sge, %add3A_153, %ge3A_160 : i32
      %convert_element_type3A_162 = arith.extui %ge3A_161 : i1 to i32
      %cond3A_163 = arith.constant 0 : i32
      %cond3A_164 = arith.cmpi ne, %convert_element_type3A_162, %cond3A_163 : i32
      scf.if %cond3A_164 {
        %dma_wait3A_356 = arith.constant 0 : i32
        %dma_wait3A_357 = arith.constant 0 : i32
        %dma_wait3A_358 = arith.constant 0 : i32
        %dma_wait3A_359 = arith.constant 0 : i32
        %dma_wait3A_360 = arith.constant 0 : i32
        %dma_wait3A_361 = tpu.memref_slice %arg11[%dma_wait3A_358, %dma_wait3A_359, %dma_wait3A_360] : memref<8x8x129xf32, #tpu.memory_space<vmem>> -> memref<8x8x128xf32, #tpu.memory_space<vmem>>
        %dma_wait3A_362 = arith.constant 0 : i32
        %dma_wait3A_363 = arith.constant 0 : i32
        %dma_wait3A_364 = arith.constant 0 : i32
        %dma_wait3A_365 = tpu.memref_slice %arg4[%dma_wait3A_356, %dma_wait3A_362, %dma_wait3A_357, %dma_wait3A_363, %dma_wait3A_364] : memref<50x8x128x8x128xf32, #tpu.memory_space<hbm>> -> memref<1x8x1x8x128xf32, #tpu.memory_space<hbm>>
        %dma_wait3A_366 = tpu.memref_squeeze %dma_wait3A_365 : memref<1x8x1x8x128xf32, #tpu.memory_space<hbm>> -> memref<8x8x128xf32, #tpu.memory_space<hbm>>
        %dma_wait3A_367 = arith.constant 0 : i32
        %dma_wait3A_368 = arith.constant 0 : i32
        %dma_wait3A_369 = arith.constant 0 : i32
        %dma_wait3A_370 = tpu.memref_slice %arg4[%dma_wait3A_356, %dma_wait3A_367, %dma_wait3A_357, %dma_wait3A_368, %dma_wait3A_369] : memref<50x8x128x8x128xf32, #tpu.memory_space<hbm>> -> memref<1x8x1x8x128xf32, #tpu.memory_space<hbm>>
        %dma_wait3A_371 = tpu.memref_squeeze %dma_wait3A_370 : memref<1x8x1x8x128xf32, #tpu.memory_space<hbm>> -> memref<8x8x128xf32, #tpu.memory_space<hbm>>
        %dma_wait3A_372 = arith.constant 0 : i32
        %dma_wait3A_373 = arith.constant 0 : i32
        %dma_wait3A_374 = arith.constant 0 : i32
        %dma_wait3A_375 = tpu.memref_slice %arg11[%dma_wait3A_372, %dma_wait3A_373, %dma_wait3A_374] : memref<8x8x129xf32, #tpu.memory_space<vmem>> -> memref<8x8x128xf32, #tpu.memory_space<vmem>>
        tpu.wait_dma2 semaphore(%arg13 : memref<!tpu.dma_semaphore, #tpu.memory_space<semaphore_mem>>) src(%dma_wait3A_375 : memref<8x8x128xf32, #tpu.memory_space<vmem>>) dst(%dma_wait3A_371 : memref<8x8x128xf32, #tpu.memory_space<hbm>>)
      } else {
      }
      %add3A_165 = arith.constant 3 : i32
      %add3A_166 = arith.addi %add3A_153, %add3A_165 : i32
      %lt3A_167 = arith.constant 200 : i32
      %lt3A_168 = arith.cmpi slt, %add3A_166, %lt3A_167 : i32
      %convert_element_type3A_169 = arith.extui %lt3A_168 : i1 to i32
      %cond3A_170 = arith.constant 0 : i32
      %cond3A_171 = arith.cmpi ne, %convert_element_type3A_169, %cond3A_170 : i32
      scf.if %cond3A_171 {
        %add3A_356 = arith.constant 3 : i32
        %add3A_357 = arith.addi %add3A_153, %add3A_356 : i32
        %dma_start3A_358 = arith.constant 0 : i32
        %dma_start3A_359 = tpu.memref_slice %arg5[%add3A_357, %dma_start3A_358] : memref<200x128xi32, #tpu.memory_space<vmem>> -> memref<1x128xi32, #tpu.memory_space<vmem>>
        %dma_start3A_360 = tpu.memref_squeeze %dma_start3A_359 : memref<1x128xi32, #tpu.memory_space<vmem>> -> memref<128xi32, #tpu.memory_space<vmem>>
        %dma_start3A_361 = arith.constant 0 : i32
        %dma_start3A_362 = arith.constant 0 : i32
        %dma_start3A_363 = tpu.memref_slice %arg2[%dma_start3A_361, %dma_start3A_362] : memref<1000000x64xf32, #tpu.memory_space<hbm>> -> memref<1000000x64xf32, #tpu.memory_space<hbm>>
        tpu.enqueue_indirect_dma source(%dma_start3A_363 : memref<1000000x64xf32, #tpu.memory_space<hbm>>) target(%arg6 : memref<128x64xf32, #tpu.memory_space<vmem>>) offsets(%dma_start3A_360 : memref<128xi32, #tpu.memory_space<vmem>>) semaphore(%arg12 : memref<!tpu.dma_semaphore, #tpu.memory_space<semaphore_mem>>)
      } else {
      }
      %parallel_loop3A_172 = arith.constant 0 : i32
      %parallel_loop3A_173 = arith.constant 128 : i32
      %parallel_loop3A_174 = arith.constant 1 : i32
      scf.for %parallel_loop3A_356 = %parallel_loop3A_172 to %parallel_loop3A_173 step %parallel_loop3A_174  : i32 {
        %parallel_loop3A_357 = arith.constant 1 : i32
        %parallel_loop3A_358 = vector.broadcast %parallel_loop3A_357 : i32 to vector<16xi32>
        %parallel_loop3A_359 = vector.broadcast %parallel_loop3A_356 : i32 to vector<16xi32>
        %parallel_loop3A_360 = arith.muli %parallel_loop3A_358, %parallel_loop3A_359 : vector<16xi32>
        %parallel_loop3A_361 = arith.index_cast %parallel_loop3A_356 : i32 to index
        %parallel_loop3A_362 = arith.constant 0 : index
        %parallel_loop3A_363 = tpu.vector_load %arg7[%parallel_loop3A_361, %parallel_loop3A_362] {strides = array<i32>} : memref<128x64xf32, #tpu.memory_space<vmem>>, vector<16xf32>,
        tpu.vector_store_idx %arg11[%add3A_7, %and3A_27, %parallel_loop3A_360], %parallel_loop3A_363 : memref<8x8x129xf32, #tpu.memory_space<vmem>>[vector<16xi32>, vector<16xi32>, vector<16xi32>], vector<16xf32>,
        %parallel_loop3A_364 = arith.index_cast %parallel_loop3A_356 : i32 to index
        %parallel_loop3A_365 = arith.constant 16 : index
        %parallel_loop3A_366 = tpu.vector_load %arg7[%parallel_loop3A_364, %parallel_loop3A_365] {strides = array<i32>} : memref<128x64xf32, #tpu.memory_space<vmem>>, vector<16xf32>,
        tpu.vector_store_idx %arg11[%add3A_13, %and3A_27, %parallel_loop3A_360], %parallel_loop3A_366 : memref<8x8x129xf32, #tpu.memory_space<vmem>>[vector<16xi32>, vector<16xi32>, vector<16xi32>], vector<16xf32>,
        %parallel_loop3A_367 = arith.index_cast %parallel_loop3A_356 : i32 to index
        %parallel_loop3A_368 = arith.constant 32 : index
        %parallel_loop3A_369 = tpu.vector_load %arg7[%parallel_loop3A_367, %parallel_loop3A_368] {strides = array<i32>} : memref<128x64xf32, #tpu.memory_space<vmem>>, vector<16xf32>,
        tpu.vector_store_idx %arg11[%add3A_19, %and3A_27, %parallel_loop3A_360], %parallel_loop3A_369 : memref<8x8x129xf32, #tpu.memory_space<vmem>>[vector<16xi32>, vector<16xi32>, vector<16xi32>], vector<16xf32>,
        %parallel_loop3A_370 = arith.index_cast %parallel_loop3A_356 : i32 to index
        %parallel_loop3A_371 = arith.constant 48 : index
        %parallel_loop3A_372 = tpu.vector_load %arg7[%parallel_loop3A_370, %parallel_loop3A_371] {strides = array<i32>} : memref<128x64xf32, #tpu.memory_space<vmem>>, vector<16xf32>,
        tpu.vector_store_idx %arg11[%add3A_25, %and3A_27, %parallel_loop3A_360], %parallel_loop3A_372 : memref<8x8x129xf32, #tpu.memory_space<vmem>>[vector<16xi32>, vector<16xi32>, vector<16xi32>], vector<16xf32>,
      } {sc.loop_unroll_factor = 8 : i64, sc.parallel_access}
      %add3A_175 = arith.addi %mul3A_2, %add3A_153 : i32
      %jit3A_176 = arith.constant 128 : i32
      %div3A_177 = arith.divsi %add3A_175, %jit3A_176 : i32
      %sign3A_178 = arith.constant 0 : i32
      %sign3A_179 = arith.cmpi sgt, %add3A_175, %sign3A_178 : i32
      %sign3A_180 = arith.extui %sign3A_179 : i1 to i32
      %sign3A_181 = arith.constant 0 : i32
      %sign3A_182 = arith.cmpi slt, %add3A_175, %sign3A_181 : i32
      %sign3A_183 = arith.extui %sign3A_182 : i1 to i32
      %sign3A_184 = arith.subi %sign3A_180, %sign3A_183 : i32
      %sign3A_185 = arith.constant 0 : i32
      %sign3A_186 = arith.cmpi sgt, %jit3A_176, %sign3A_185 : i32
      %sign3A_187 = arith.extui %sign3A_186 : i1 to i32
      %sign3A_188 = arith.constant 0 : i32
      %sign3A_189 = arith.cmpi slt, %jit3A_176, %sign3A_188 : i32
      %sign3A_190 = arith.extui %sign3A_189 : i1 to i32
      %sign3A_191 = arith.subi %sign3A_187, %sign3A_190 : i32
      %ne3A_192 = arith.cmpi ne, %sign3A_184, %sign3A_191 : i32
      %rem3A_193 = arith.remsi %add3A_175, %jit3A_176 : i32
      %ne3A_194 = arith.constant 0 : i32
      %ne3A_195 = arith.cmpi ne, %rem3A_193, %ne3A_194 : i32
      %and3A_196 = arith.andi %ne3A_192, %ne3A_195 : i1
      %sub3A_197 = arith.constant 1 : i32
      %sub3A_198 = arith.subi %div3A_177, %sub3A_197 : i32
      %select_n3A_199 = arith.select %and3A_196, %sub3A_198, %div3A_177 : i32
      %rem3A_200 = arith.constant 128 : i32
      %rem3A_201 = arith.remsi %add3A_175, %rem3A_200 : i32
      %dma_start3A_202 = arith.constant 0 : i32
      %dma_start3A_203 = arith.constant 0 : i32
      %dma_start3A_204 = arith.constant 0 : i32
      %dma_start3A_205 = tpu.memref_slice %arg11[%dma_start3A_202, %dma_start3A_203, %dma_start3A_204] : memref<8x8x129xf32, #tpu.memory_space<vmem>> -> memref<8x8x128xf32, #tpu.memory_space<vmem>>
      %dma_start3A_206 = arith.constant 0 : i32
      %dma_start3A_207 = arith.constant 0 : i32
      %dma_start3A_208 = arith.constant 0 : i32
      %dma_start3A_209 = tpu.memref_slice %arg4[%select_n3A_199, %dma_start3A_206, %rem3A_201, %dma_start3A_207, %dma_start3A_208] : memref<50x8x128x8x128xf32, #tpu.memory_space<hbm>> -> memref<1x8x1x8x128xf32, #tpu.memory_space<hbm>>
      %dma_start3A_210 = tpu.memref_squeeze %dma_start3A_209 : memref<1x8x1x8x128xf32, #tpu.memory_space<hbm>> -> memref<8x8x128xf32, #tpu.memory_space<hbm>>
      %dma_start3A_211 = arith.constant 0 : i32
      %dma_start3A_212 = arith.constant 0 : i32
      %dma_start3A_213 = arith.constant 0 : i32
      %dma_start3A_214 = tpu.memref_slice %arg4[%select_n3A_199, %dma_start3A_211, %rem3A_201, %dma_start3A_212, %dma_start3A_213] : memref<50x8x128x8x128xf32, #tpu.memory_space<hbm>> -> memref<1x8x1x8x128xf32, #tpu.memory_space<hbm>>
      %dma_start3A_215 = tpu.memref_squeeze %dma_start3A_214 : memref<1x8x1x8x128xf32, #tpu.memory_space<hbm>> -> memref<8x8x128xf32, #tpu.memory_space<hbm>>
      %dma_start3A_216 = arith.constant 0 : i32
      %dma_start3A_217 = arith.constant 0 : i32
      %dma_start3A_218 = arith.constant 0 : i32
      %dma_start3A_219 = tpu.memref_slice %arg11[%dma_start3A_216, %dma_start3A_217, %dma_start3A_218] : memref<8x8x129xf32, #tpu.memory_space<vmem>> -> memref<8x8x128xf32, #tpu.memory_space<vmem>>
      tpu.enqueue_dma source(%dma_start3A_219 : memref<8x8x128xf32, #tpu.memory_space<vmem>>) target(%dma_start3A_215 : memref<8x8x128xf32, #tpu.memory_space<hbm>>) target_semaphore(%arg13 : memref<!tpu.dma_semaphore, #tpu.memory_space<semaphore_mem>>)
      %add3A_220 = arith.constant 2 : i32
      %add3A_221 = arith.addi %add3A_95, %add3A_220 : i32
      %dma_wait3A_222 = arith.constant 0 : i32
      %dma_wait3A_223 = arith.constant 0 : i32
      %dma_wait3A_224 = tpu.memref_slice %arg2[%dma_wait3A_222, %dma_wait3A_223] : memref<1000000x64xf32, #tpu.memory_space<hbm>> -> memref<128x64xf32, #tpu.memory_space<hbm>>
      %dma_wait3A_225 = arith.constant 0 : i32
      %dma_wait3A_226 = arith.constant 0 : i32
      %dma_wait3A_227 = tpu.memref_slice %arg2[%dma_wait3A_225, %dma_wait3A_226] : memref<1000000x64xf32, #tpu.memory_space<hbm>> -> memref<128x64xf32, #tpu.memory_space<hbm>>
      tpu.wait_dma2 semaphore(%arg12 : memref<!tpu.dma_semaphore, #tpu.memory_space<semaphore_mem>>) src(%dma_wait3A_227 : memref<128x64xf32, #tpu.memory_space<hbm>>) dst(%arg8 : memref<128x64xf32, #tpu.memory_space<vmem>>)
      %ge3A_228 = arith.constant 2 : i32
      %ge3A_229 = arith.cmpi sge, %add3A_221, %ge3A_228 : i32
      %convert_element_type3A_230 = arith.extui %ge3A_229 : i1 to i32
      %cond3A_231 = arith.constant 0 : i32
      %cond3A_232 = arith.cmpi ne, %convert_element_type3A_230, %cond3A_231 : i32
      scf.if %cond3A_232 {
        %dma_wait3A_356 = arith.constant 0 : i32
        %dma_wait3A_357 = arith.constant 0 : i32
        %dma_wait3A_358 = arith.constant 0 : i32
        %dma_wait3A_359 = arith.constant 0 : i32
        %dma_wait3A_360 = arith.constant 0 : i32
        %dma_wait3A_361 = tpu.memref_slice %arg10[%dma_wait3A_358, %dma_wait3A_359, %dma_wait3A_360] : memref<8x8x129xf32, #tpu.memory_space<vmem>> -> memref<8x8x128xf32, #tpu.memory_space<vmem>>
        %dma_wait3A_362 = arith.constant 0 : i32
        %dma_wait3A_363 = arith.constant 0 : i32
        %dma_wait3A_364 = arith.constant 0 : i32
        %dma_wait3A_365 = tpu.memref_slice %arg4[%dma_wait3A_356, %dma_wait3A_362, %dma_wait3A_357, %dma_wait3A_363, %dma_wait3A_364] : memref<50x8x128x8x128xf32, #tpu.memory_space<hbm>> -> memref<1x8x1x8x128xf32, #tpu.memory_space<hbm>>
        %dma_wait3A_366 = tpu.memref_squeeze %dma_wait3A_365 : memref<1x8x1x8x128xf32, #tpu.memory_space<hbm>> -> memref<8x8x128xf32, #tpu.memory_space<hbm>>
        %dma_wait3A_367 = arith.constant 0 : i32
        %dma_wait3A_368 = arith.constant 0 : i32
        %dma_wait3A_369 = arith.constant 0 : i32
        %dma_wait3A_370 = tpu.memref_slice %arg4[%dma_wait3A_356, %dma_wait3A_367, %dma_wait3A_357, %dma_wait3A_368, %dma_wait3A_369] : memref<50x8x128x8x128xf32, #tpu.memory_space<hbm>> -> memref<1x8x1x8x128xf32, #tpu.memory_space<hbm>>
        %dma_wait3A_371 = tpu.memref_squeeze %dma_wait3A_370 : memref<1x8x1x8x128xf32, #tpu.memory_space<hbm>> -> memref<8x8x128xf32, #tpu.memory_space<hbm>>
        %dma_wait3A_372 = arith.constant 0 : i32
        %dma_wait3A_373 = arith.constant 0 : i32
        %dma_wait3A_374 = arith.constant 0 : i32
        %dma_wait3A_375 = tpu.memref_slice %arg10[%dma_wait3A_372, %dma_wait3A_373, %dma_wait3A_374] : memref<8x8x129xf32, #tpu.memory_space<vmem>> -> memref<8x8x128xf32, #tpu.memory_space<vmem>>
        tpu.wait_dma2 semaphore(%arg13 : memref<!tpu.dma_semaphore, #tpu.memory_space<semaphore_mem>>) src(%dma_wait3A_375 : memref<8x8x128xf32, #tpu.memory_space<vmem>>) dst(%dma_wait3A_371 : memref<8x8x128xf32, #tpu.memory_space<hbm>>)
      } else {
      }
      %add3A_233 = arith.constant 3 : i32
      %add3A_234 = arith.addi %add3A_221, %add3A_233 : i32
      %lt3A_235 = arith.constant 200 : i32
      %lt3A_236 = arith.cmpi slt, %add3A_234, %lt3A_235 : i32
      %convert_element_type3A_237 = arith.extui %lt3A_236 : i1 to i32
      %cond3A_238 = arith.constant 0 : i32
      %cond3A_239 = arith.cmpi ne, %convert_element_type3A_237, %cond3A_238 : i32
      scf.if %cond3A_239 {
        %add3A_356 = arith.constant 3 : i32
        %add3A_357 = arith.addi %add3A_221, %add3A_356 : i32
        %dma_start3A_358 = arith.constant 0 : i32
        %dma_start3A_359 = tpu.memref_slice %arg5[%add3A_357, %dma_start3A_358] : memref<200x128xi32, #tpu.memory_space<vmem>> -> memref<1x128xi32, #tpu.memory_space<vmem>>
        %dma_start3A_360 = tpu.memref_squeeze %dma_start3A_359 : memref<1x128xi32, #tpu.memory_space<vmem>> -> memref<128xi32, #tpu.memory_space<vmem>>
        %dma_start3A_361 = arith.constant 0 : i32
        %dma_start3A_362 = arith.constant 0 : i32
        %dma_start3A_363 = tpu.memref_slice %arg2[%dma_start3A_361, %dma_start3A_362] : memref<1000000x64xf32, #tpu.memory_space<hbm>> -> memref<1000000x64xf32, #tpu.memory_space<hbm>>
        tpu.enqueue_indirect_dma source(%dma_start3A_363 : memref<1000000x64xf32, #tpu.memory_space<hbm>>) target(%arg7 : memref<128x64xf32, #tpu.memory_space<vmem>>) offsets(%dma_start3A_360 : memref<128xi32, #tpu.memory_space<vmem>>) semaphore(%arg12 : memref<!tpu.dma_semaphore, #tpu.memory_space<semaphore_mem>>)
      } else {
      }
      %parallel_loop3A_240 = arith.constant 0 : i32
      %parallel_loop3A_241 = arith.constant 128 : i32
      %parallel_loop3A_242 = arith.constant 1 : i32
      scf.for %parallel_loop3A_356 = %parallel_loop3A_240 to %parallel_loop3A_241 step %parallel_loop3A_242  : i32 {
        %parallel_loop3A_357 = arith.constant 1 : i32
        %parallel_loop3A_358 = vector.broadcast %parallel_loop3A_357 : i32 to vector<16xi32>
        %parallel_loop3A_359 = vector.broadcast %parallel_loop3A_356 : i32 to vector<16xi32>
        %parallel_loop3A_360 = arith.muli %parallel_loop3A_358, %parallel_loop3A_359 : vector<16xi32>
        %parallel_loop3A_361 = arith.index_cast %parallel_loop3A_356 : i32 to index
        %parallel_loop3A_362 = arith.constant 0 : index
        %parallel_loop3A_363 = tpu.vector_load %arg8[%parallel_loop3A_361, %parallel_loop3A_362] {strides = array<i32>} : memref<128x64xf32, #tpu.memory_space<vmem>>, vector<16xf32>,
        tpu.vector_store_idx %arg10[%add3A_7, %and3A_27, %parallel_loop3A_360], %parallel_loop3A_363 : memref<8x8x129xf32, #tpu.memory_space<vmem>>[vector<16xi32>, vector<16xi32>, vector<16xi32>], vector<16xf32>,
        %parallel_loop3A_364 = arith.index_cast %parallel_loop3A_356 : i32 to index
        %parallel_loop3A_365 = arith.constant 16 : index
        %parallel_loop3A_366 = tpu.vector_load %arg8[%parallel_loop3A_364, %parallel_loop3A_365] {strides = array<i32>} : memref<128x64xf32, #tpu.memory_space<vmem>>, vector<16xf32>,
        tpu.vector_store_idx %arg10[%add3A_13, %and3A_27, %parallel_loop3A_360], %parallel_loop3A_366 : memref<8x8x129xf32, #tpu.memory_space<vmem>>[vector<16xi32>, vector<16xi32>, vector<16xi32>], vector<16xf32>,
        %parallel_loop3A_367 = arith.index_cast %parallel_loop3A_356 : i32 to index
        %parallel_loop3A_368 = arith.constant 32 : index
        %parallel_loop3A_369 = tpu.vector_load %arg8[%parallel_loop3A_367, %parallel_loop3A_368] {strides = array<i32>} : memref<128x64xf32, #tpu.memory_space<vmem>>, vector<16xf32>,
        tpu.vector_store_idx %arg10[%add3A_19, %and3A_27, %parallel_loop3A_360], %parallel_loop3A_369 : memref<8x8x129xf32, #tpu.memory_space<vmem>>[vector<16xi32>, vector<16xi32>, vector<16xi32>], vector<16xf32>,
        %parallel_loop3A_370 = arith.index_cast %parallel_loop3A_356 : i32 to index
        %parallel_loop3A_371 = arith.constant 48 : index
        %parallel_loop3A_372 = tpu.vector_load %arg8[%parallel_loop3A_370, %parallel_loop3A_371] {strides = array<i32>} : memref<128x64xf32, #tpu.memory_space<vmem>>, vector<16xf32>,
        tpu.vector_store_idx %arg10[%add3A_25, %and3A_27, %parallel_loop3A_360], %parallel_loop3A_372 : memref<8x8x129xf32, #tpu.memory_space<vmem>>[vector<16xi32>, vector<16xi32>, vector<16xi32>], vector<16xf32>,
      } {sc.loop_unroll_factor = 8 : i64, sc.parallel_access}
      %add3A_243 = arith.addi %mul3A_2, %add3A_221 : i32
      %jit3A_244 = arith.constant 128 : i32
      %div3A_245 = arith.divsi %add3A_243, %jit3A_244 : i32
      %sign3A_246 = arith.constant 0 : i32
      %sign3A_247 = arith.cmpi sgt, %add3A_243, %sign3A_246 : i32
      %sign3A_248 = arith.extui %sign3A_247 : i1 to i32
      %sign3A_249 = arith.constant 0 : i32
      %sign3A_250 = arith.cmpi slt, %add3A_243, %sign3A_249 : i32
      %sign3A_251 = arith.extui %sign3A_250 : i1 to i32
      %sign3A_252 = arith.subi %sign3A_248, %sign3A_251 : i32
      %sign3A_253 = arith.constant 0 : i32
      %sign3A_254 = arith.cmpi sgt, %jit3A_244, %sign3A_253 : i32
      %sign3A_255 = arith.extui %sign3A_254 : i1 to i32
      %sign3A_256 = arith.constant 0 : i32
      %sign3A_257 = arith.cmpi slt, %jit3A_244, %sign3A_256 : i32
      %sign3A_258 = arith.extui %sign3A_257 : i1 to i32
      %sign3A_259 = arith.subi %sign3A_255, %sign3A_258 : i32
      %ne3A_260 = arith.cmpi ne, %sign3A_252, %sign3A_259 : i32
      %rem3A_261 = arith.remsi %add3A_243, %jit3A_244 : i32
      %ne3A_262 = arith.constant 0 : i32
      %ne3A_263 = arith.cmpi ne, %rem3A_261, %ne3A_262 : i32
      %and3A_264 = arith.andi %ne3A_260, %ne3A_263 : i1
      %sub3A_265 = arith.constant 1 : i32
      %sub3A_266 = arith.subi %div3A_245, %sub3A_265 : i32
      %select_n3A_267 = arith.select %and3A_264, %sub3A_266, %div3A_245 : i32
      %rem3A_268 = arith.constant 128 : i32
      %rem3A_269 = arith.remsi %add3A_243, %rem3A_268 : i32
      %dma_start3A_270 = arith.constant 0 : i32
      %dma_start3A_271 = arith.constant 0 : i32
      %dma_start3A_272 = arith.constant 0 : i32
      %dma_start3A_273 = tpu.memref_slice %arg10[%dma_start3A_270, %dma_start3A_271, %dma_start3A_272] : memref<8x8x129xf32, #tpu.memory_space<vmem>> -> memref<8x8x128xf32, #tpu.memory_space<vmem>>
      %dma_start3A_274 = arith.constant 0 : i32
      %dma_start3A_275 = arith.constant 0 : i32
      %dma_start3A_276 = arith.constant 0 : i32
      %dma_start3A_277 = tpu.memref_slice %arg4[%select_n3A_267, %dma_start3A_274, %rem3A_269, %dma_start3A_275, %dma_start3A_276] : memref<50x8x128x8x128xf32, #tpu.memory_space<hbm>> -> memref<1x8x1x8x128xf32, #tpu.memory_space<hbm>>
      %dma_start3A_278 = tpu.memref_squeeze %dma_start3A_277 : memref<1x8x1x8x128xf32, #tpu.memory_space<hbm>> -> memref<8x8x128xf32, #tpu.memory_space<hbm>>
      %dma_start3A_279 = arith.constant 0 : i32
      %dma_start3A_280 = arith.constant 0 : i32
      %dma_start3A_281 = arith.constant 0 : i32
      %dma_start3A_282 = tpu.memref_slice %arg4[%select_n3A_267, %dma_start3A_279, %rem3A_269, %dma_start3A_280, %dma_start3A_281] : memref<50x8x128x8x128xf32, #tpu.memory_space<hbm>> -> memref<1x8x1x8x128xf32, #tpu.memory_space<hbm>>
      %dma_start3A_283 = tpu.memref_squeeze %dma_start3A_282 : memref<1x8x1x8x128xf32, #tpu.memory_space<hbm>> -> memref<8x8x128xf32, #tpu.memory_space<hbm>>
      %dma_start3A_284 = arith.constant 0 : i32
      %dma_start3A_285 = arith.constant 0 : i32
      %dma_start3A_286 = arith.constant 0 : i32
      %dma_start3A_287 = tpu.memref_slice %arg10[%dma_start3A_284, %dma_start3A_285, %dma_start3A_286] : memref<8x8x129xf32, #tpu.memory_space<vmem>> -> memref<8x8x128xf32, #tpu.memory_space<vmem>>
      tpu.enqueue_dma source(%dma_start3A_287 : memref<8x8x128xf32, #tpu.memory_space<vmem>>) target(%dma_start3A_283 : memref<8x8x128xf32, #tpu.memory_space<hbm>>) target_semaphore(%arg13 : memref<!tpu.dma_semaphore, #tpu.memory_space<semaphore_mem>>)
      %add3A_288 = arith.constant 3 : i32
      %add3A_289 = arith.addi %add3A_95, %add3A_288 : i32
      %dma_wait3A_290 = arith.constant 0 : i32
      %dma_wait3A_291 = arith.constant 0 : i32
      %dma_wait3A_292 = tpu.memref_slice %arg2[%dma_wait3A_290, %dma_wait3A_291] : memref<1000000x64xf32, #tpu.memory_space<hbm>> -> memref<128x64xf32, #tpu.memory_space<hbm>>
      %dma_wait3A_293 = arith.constant 0 : i32
      %dma_wait3A_294 = arith.constant 0 : i32
      %dma_wait3A_295 = tpu.memref_slice %arg2[%dma_wait3A_293, %dma_wait3A_294] : memref<1000000x64xf32, #tpu.memory_space<hbm>> -> memref<128x64xf32, #tpu.memory_space<hbm>>
      tpu.wait_dma2 semaphore(%arg12 : memref<!tpu.dma_semaphore, #tpu.memory_space<semaphore_mem>>) src(%dma_wait3A_295 : memref<128x64xf32, #tpu.memory_space<hbm>>) dst(%arg9 : memref<128x64xf32, #tpu.memory_space<vmem>>)
      %ge3A_296 = arith.constant 2 : i32
      %ge3A_297 = arith.cmpi sge, %add3A_289, %ge3A_296 : i32
      %convert_element_type3A_298 = arith.extui %ge3A_297 : i1 to i32
      %cond3A_299 = arith.constant 0 : i32
      %cond3A_300 = arith.cmpi ne, %convert_element_type3A_298, %cond3A_299 : i32
      scf.if %cond3A_300 {
        %dma_wait3A_356 = arith.constant 0 : i32
        %dma_wait3A_357 = arith.constant 0 : i32
        %dma_wait3A_358 = arith.constant 0 : i32
        %dma_wait3A_359 = arith.constant 0 : i32
        %dma_wait3A_360 = arith.constant 0 : i32
        %dma_wait3A_361 = tpu.memref_slice %arg11[%dma_wait3A_358, %dma_wait3A_359, %dma_wait3A_360] : memref<8x8x129xf32, #tpu.memory_space<vmem>> -> memref<8x8x128xf32, #tpu.memory_space<vmem>>
        %dma_wait3A_362 = arith.constant 0 : i32
        %dma_wait3A_363 = arith.constant 0 : i32
        %dma_wait3A_364 = arith.constant 0 : i32
        %dma_wait3A_365 = tpu.memref_slice %arg4[%dma_wait3A_356, %dma_wait3A_362, %dma_wait3A_357, %dma_wait3A_363, %dma_wait3A_364] : memref<50x8x128x8x128xf32, #tpu.memory_space<hbm>> -> memref<1x8x1x8x128xf32, #tpu.memory_space<hbm>>
        %dma_wait3A_366 = tpu.memref_squeeze %dma_wait3A_365 : memref<1x8x1x8x128xf32, #tpu.memory_space<hbm>> -> memref<8x8x128xf32, #tpu.memory_space<hbm>>
        %dma_wait3A_367 = arith.constant 0 : i32
        %dma_wait3A_368 = arith.constant 0 : i32
        %dma_wait3A_369 = arith.constant 0 : i32
        %dma_wait3A_370 = tpu.memref_slice %arg4[%dma_wait3A_356, %dma_wait3A_367, %dma_wait3A_357, %dma_wait3A_368, %dma_wait3A_369] : memref<50x8x128x8x128xf32, #tpu.memory_space<hbm>> -> memref<1x8x1x8x128xf32, #tpu.memory_space<hbm>>
        %dma_wait3A_371 = tpu.memref_squeeze %dma_wait3A_370 : memref<1x8x1x8x128xf32, #tpu.memory_space<hbm>> -> memref<8x8x128xf32, #tpu.memory_space<hbm>>
        %dma_wait3A_372 = arith.constant 0 : i32
        %dma_wait3A_373 = arith.constant 0 : i32
        %dma_wait3A_374 = arith.constant 0 : i32
        %dma_wait3A_375 = tpu.memref_slice %arg11[%dma_wait3A_372, %dma_wait3A_373, %dma_wait3A_374] : memref<8x8x129xf32, #tpu.memory_space<vmem>> -> memref<8x8x128xf32, #tpu.memory_space<vmem>>
        tpu.wait_dma2 semaphore(%arg13 : memref<!tpu.dma_semaphore, #tpu.memory_space<semaphore_mem>>) src(%dma_wait3A_375 : memref<8x8x128xf32, #tpu.memory_space<vmem>>) dst(%dma_wait3A_371 : memref<8x8x128xf32, #tpu.memory_space<hbm>>)
      } else {
      }
      %add3A_301 = arith.constant 3 : i32
      %add3A_302 = arith.addi %add3A_289, %add3A_301 : i32
      %lt3A_303 = arith.constant 200 : i32
      %lt3A_304 = arith.cmpi slt, %add3A_302, %lt3A_303 : i32
      %convert_element_type3A_305 = arith.extui %lt3A_304 : i1 to i32
      %cond3A_306 = arith.constant 0 : i32
      %cond3A_307 = arith.cmpi ne, %convert_element_type3A_305, %cond3A_306 : i32
      scf.if %cond3A_307 {
        %add3A_356 = arith.constant 3 : i32
        %add3A_357 = arith.addi %add3A_289, %add3A_356 : i32
        %dma_start3A_358 = arith.constant 0 : i32
        %dma_start3A_359 = tpu.memref_slice %arg5[%add3A_357, %dma_start3A_358] : memref<200x128xi32, #tpu.memory_space<vmem>> -> memref<1x128xi32, #tpu.memory_space<vmem>>
        %dma_start3A_360 = tpu.memref_squeeze %dma_start3A_359 : memref<1x128xi32, #tpu.memory_space<vmem>> -> memref<128xi32, #tpu.memory_space<vmem>>
        %dma_start3A_361 = arith.constant 0 : i32
        %dma_start3A_362 = arith.constant 0 : i32
        %dma_start3A_363 = tpu.memref_slice %arg2[%dma_start3A_361, %dma_start3A_362] : memref<1000000x64xf32, #tpu.memory_space<hbm>> -> memref<1000000x64xf32, #tpu.memory_space<hbm>>
        tpu.enqueue_indirect_dma source(%dma_start3A_363 : memref<1000000x64xf32, #tpu.memory_space<hbm>>) target(%arg8 : memref<128x64xf32, #tpu.memory_space<vmem>>) offsets(%dma_start3A_360 : memref<128xi32, #tpu.memory_space<vmem>>) semaphore(%arg12 : memref<!tpu.dma_semaphore, #tpu.memory_space<semaphore_mem>>)
      } else {
      }
      %parallel_loop3A_308 = arith.constant 0 : i32
      %parallel_loop3A_309 = arith.constant 128 : i32
      %parallel_loop3A_310 = arith.constant 1 : i32
      scf.for %parallel_loop3A_356 = %parallel_loop3A_308 to %parallel_loop3A_309 step %parallel_loop3A_310  : i32 {
        %parallel_loop3A_357 = arith.constant 1 : i32
        %parallel_loop3A_358 = vector.broadcast %parallel_loop3A_357 : i32 to vector<16xi32>
        %parallel_loop3A_359 = vector.broadcast %parallel_loop3A_356 : i32 to vector<16xi32>
        %parallel_loop3A_360 = arith.muli %parallel_loop3A_358, %parallel_loop3A_359 : vector<16xi32>
        %parallel_loop3A_361 = arith.index_cast %parallel_loop3A_356 : i32 to index
        %parallel_loop3A_362 = arith.constant 0 : index
        %parallel_loop3A_363 = tpu.vector_load %arg9[%parallel_loop3A_361, %parallel_loop3A_362] {strides = array<i32>} : memref<128x64xf32, #tpu.memory_space<vmem>>, vector<16xf32>,
        tpu.vector_store_idx %arg11[%add3A_7, %and3A_27, %parallel_loop3A_360], %parallel_loop3A_363 : memref<8x8x129xf32, #tpu.memory_space<vmem>>[vector<16xi32>, vector<16xi32>, vector<16xi32>], vector<16xf32>,
        %parallel_loop3A_364 = arith.index_cast %parallel_loop3A_356 : i32 to index
        %parallel_loop3A_365 = arith.constant 16 : index
        %parallel_loop3A_366 = tpu.vector_load %arg9[%parallel_loop3A_364, %parallel_loop3A_365] {strides = array<i32>} : memref<128x64xf32, #tpu.memory_space<vmem>>, vector<16xf32>,
        tpu.vector_store_idx %arg11[%add3A_13, %and3A_27, %parallel_loop3A_360], %parallel_loop3A_366 : memref<8x8x129xf32, #tpu.memory_space<vmem>>[vector<16xi32>, vector<16xi32>, vector<16xi32>], vector<16xf32>,
        %parallel_loop3A_367 = arith.index_cast %parallel_loop3A_356 : i32 to index
        %parallel_loop3A_368 = arith.constant 32 : index
        %parallel_loop3A_369 = tpu.vector_load %arg9[%parallel_loop3A_367, %parallel_loop3A_368] {strides = array<i32>} : memref<128x64xf32, #tpu.memory_space<vmem>>, vector<16xf32>,
        tpu.vector_store_idx %arg11[%add3A_19, %and3A_27, %parallel_loop3A_360], %parallel_loop3A_369 : memref<8x8x129xf32, #tpu.memory_space<vmem>>[vector<16xi32>, vector<16xi32>, vector<16xi32>], vector<16xf32>,
        %parallel_loop3A_370 = arith.index_cast %parallel_loop3A_356 : i32 to index
        %parallel_loop3A_371 = arith.constant 48 : index
        %parallel_loop3A_372 = tpu.vector_load %arg9[%parallel_loop3A_370, %parallel_loop3A_371] {strides = array<i32>} : memref<128x64xf32, #tpu.memory_space<vmem>>, vector<16xf32>,
        tpu.vector_store_idx %arg11[%add3A_25, %and3A_27, %parallel_loop3A_360], %parallel_loop3A_372 : memref<8x8x129xf32, #tpu.memory_space<vmem>>[vector<16xi32>, vector<16xi32>, vector<16xi32>], vector<16xf32>,
      } {sc.loop_unroll_factor = 8 : i64, sc.parallel_access}
      %add3A_311 = arith.addi %mul3A_2, %add3A_289 : i32
      %jit3A_312 = arith.constant 128 : i32
      %div3A_313 = arith.divsi %add3A_311, %jit3A_312 : i32
      %sign3A_314 = arith.constant 0 : i32
      %sign3A_315 = arith.cmpi sgt, %add3A_311, %sign3A_314 : i32
      %sign3A_316 = arith.extui %sign3A_315 : i1 to i32
      %sign3A_317 = arith.constant 0 : i32
      %sign3A_318 = arith.cmpi slt, %add3A_311, %sign3A_317 : i32
      %sign3A_319 = arith.extui %sign3A_318 : i1 to i32
      %sign3A_320 = arith.subi %sign3A_316, %sign3A_319 : i32
      %sign3A_321 = arith.constant 0 : i32
      %sign3A_322 = arith.cmpi sgt, %jit3A_312, %sign3A_321 : i32
      %sign3A_323 = arith.extui %sign3A_322 : i1 to i32
      %sign3A_324 = arith.constant 0 : i32
      %sign3A_325 = arith.cmpi slt, %jit3A_312, %sign3A_324 : i32
      %sign3A_326 = arith.extui %sign3A_325 : i1 to i32
      %sign3A_327 = arith.subi %sign3A_323, %sign3A_326 : i32
      %ne3A_328 = arith.cmpi ne, %sign3A_320, %sign3A_327 : i32
      %rem3A_329 = arith.remsi %add3A_311, %jit3A_312 : i32
      %ne3A_330 = arith.constant 0 : i32
      %ne3A_331 = arith.cmpi ne, %rem3A_329, %ne3A_330 : i32
      %and3A_332 = arith.andi %ne3A_328, %ne3A_331 : i1
      %sub3A_333 = arith.constant 1 : i32
      %sub3A_334 = arith.subi %div3A_313, %sub3A_333 : i32
      %select_n3A_335 = arith.select %and3A_332, %sub3A_334, %div3A_313 : i32
      %rem3A_336 = arith.constant 128 : i32
      %rem3A_337 = arith.remsi %add3A_311, %rem3A_336 : i32
      %dma_start3A_338 = arith.constant 0 : i32
      %dma_start3A_339 = arith.constant 0 : i32
      %dma_start3A_340 = arith.constant 0 : i32
      %dma_start3A_341 = tpu.memref_slice %arg11[%dma_start3A_338, %dma_start3A_339, %dma_start3A_340] : memref<8x8x129xf32, #tpu.memory_space<vmem>> -> memref<8x8x128xf32, #tpu.memory_space<vmem>>
      %dma_start3A_342 = arith.constant 0 : i32
      %dma_start3A_343 = arith.constant 0 : i32
      %dma_start3A_344 = arith.constant 0 : i32
      %dma_start3A_345 = tpu.memref_slice %arg4[%select_n3A_335, %dma_start3A_342, %rem3A_337, %dma_start3A_343, %dma_start3A_344] : memref<50x8x128x8x128xf32, #tpu.memory_space<hbm>> -> memref<1x8x1x8x128xf32, #tpu.memory_space<hbm>>
      %dma_start3A_346 = tpu.memref_squeeze %dma_start3A_345 : memref<1x8x1x8x128xf32, #tpu.memory_space<hbm>> -> memref<8x8x128xf32, #tpu.memory_space<hbm>>
      %dma_start3A_347 = arith.constant 0 : i32
      %dma_start3A_348 = arith.constant 0 : i32
      %dma_start3A_349 = arith.constant 0 : i32
      %dma_start3A_350 = tpu.memref_slice %arg4[%select_n3A_335, %dma_start3A_347, %rem3A_337, %dma_start3A_348, %dma_start3A_349] : memref<50x8x128x8x128xf32, #tpu.memory_space<hbm>> -> memref<1x8x1x8x128xf32, #tpu.memory_space<hbm>>
      %dma_start3A_351 = tpu.memref_squeeze %dma_start3A_350 : memref<1x8x1x8x128xf32, #tpu.memory_space<hbm>> -> memref<8x8x128xf32, #tpu.memory_space<hbm>>
      %dma_start3A_352 = arith.constant 0 : i32
      %dma_start3A_353 = arith.constant 0 : i32
      %dma_start3A_354 = arith.constant 0 : i32
      %dma_start3A_355 = tpu.memref_slice %arg11[%dma_start3A_352, %dma_start3A_353, %dma_start3A_354] : memref<8x8x129xf32, #tpu.memory_space<vmem>> -> memref<8x8x128xf32, #tpu.memory_space<vmem>>
      tpu.enqueue_dma source(%dma_start3A_355 : memref<8x8x128xf32, #tpu.memory_space<vmem>>) target(%dma_start3A_351 : memref<8x8x128xf32, #tpu.memory_space<hbm>>) target_semaphore(%arg13 : memref<!tpu.dma_semaphore, #tpu.memory_space<semaphore_mem>>)
    }
    %scan3A_51 = arith.constant 50 : i32
    %dma_wait3A = arith.constant 0 : i32
    %dma_wait3A_52 = arith.constant 0 : i32
    %dma_wait3A_53 = arith.constant 0 : i32
    %dma_wait3A_54 = arith.constant 0 : i32
    %dma_wait3A_55 = arith.constant 0 : i32
    %dma_wait3A_56 = tpu.memref_slice %arg10[%dma_wait3A_53, %dma_wait3A_54, %dma_wait3A_55] : memref<8x8x129xf32, #tpu.memory_space<vmem>> -> memref<8x8x128xf32, #tpu.memory_space<vmem>>
    %dma_wait3A_57 = arith.constant 0 : i32
    %dma_wait3A_58 = arith.constant 0 : i32
    %dma_wait3A_59 = arith.constant 0 : i32
    %dma_wait3A_60 = tpu.memref_slice %arg4[%dma_wait3A, %dma_wait3A_57, %dma_wait3A_52, %dma_wait3A_58, %dma_wait3A_59] : memref<50x8x128x8x128xf32, #tpu.memory_space<hbm>> -> memref<1x8x1x8x128xf32, #tpu.memory_space<hbm>>
    %dma_wait3A_61 = tpu.memref_squeeze %dma_wait3A_60 : memref<1x8x1x8x128xf32, #tpu.memory_space<hbm>> -> memref<8x8x128xf32, #tpu.memory_space<hbm>>
    %dma_wait3A_62 = arith.constant 0 : i32
    %dma_wait3A_63 = arith.constant 0 : i32
    %dma_wait3A_64 = arith.constant 0 : i32
    %dma_wait3A_65 = tpu.memref_slice %arg4[%dma_wait3A, %dma_wait3A_62, %dma_wait3A_52, %dma_wait3A_63, %dma_wait3A_64] : memref<50x8x128x8x128xf32, #tpu.memory_space<hbm>> -> memref<1x8x1x8x128xf32, #tpu.memory_space<hbm>>
    %dma_wait3A_66 = tpu.memref_squeeze %dma_wait3A_65 : memref<1x8x1x8x128xf32, #tpu.memory_space<hbm>> -> memref<8x8x128xf32, #tpu.memory_space<hbm>>
    %dma_wait3A_67 = arith.constant 0 : i32
    %dma_wait3A_68 = arith.constant 0 : i32
    %dma_wait3A_69 = arith.constant 0 : i32
    %dma_wait3A_70 = tpu.memref_slice %arg10[%dma_wait3A_67, %dma_wait3A_68, %dma_wait3A_69] : memref<8x8x129xf32, #tpu.memory_space<vmem>> -> memref<8x8x128xf32, #tpu.memory_space<vmem>>
    tpu.wait_dma2 semaphore(%arg13 : memref<!tpu.dma_semaphore, #tpu.memory_space<semaphore_mem>>) src(%dma_wait3A_70 : memref<8x8x128xf32, #tpu.memory_space<vmem>>) dst(%dma_wait3A_66 : memref<8x8x128xf32, #tpu.memory_space<hbm>>)
    %dma_wait3A_71 = arith.constant 0 : i32
    %dma_wait3A_72 = arith.constant 0 : i32
    %dma_wait3A_73 = arith.constant 0 : i32
    %dma_wait3A_74 = arith.constant 0 : i32
    %dma_wait3A_75 = arith.constant 0 : i32
    %dma_wait3A_76 = tpu.memref_slice %arg11[%dma_wait3A_73, %dma_wait3A_74, %dma_wait3A_75] : memref<8x8x129xf32, #tpu.memory_space<vmem>> -> memref<8x8x128xf32, #tpu.memory_space<vmem>>
    %dma_wait3A_77 = arith.constant 0 : i32
    %dma_wait3A_78 = arith.constant 0 : i32
    %dma_wait3A_79 = arith.constant 0 : i32
    %dma_wait3A_80 = tpu.memref_slice %arg4[%dma_wait3A_71, %dma_wait3A_77, %dma_wait3A_72, %dma_wait3A_78, %dma_wait3A_79] : memref<50x8x128x8x128xf32, #tpu.memory_space<hbm>> -> memref<1x8x1x8x128xf32, #tpu.memory_space<hbm>>
    %dma_wait3A_81 = tpu.memref_squeeze %dma_wait3A_80 : memref<1x8x1x8x128xf32, #tpu.memory_space<hbm>> -> memref<8x8x128xf32, #tpu.memory_space<hbm>>
    %dma_wait3A_82 = arith.constant 0 : i32
    %dma_wait3A_83 = arith.constant 0 : i32
    %dma_wait3A_84 = arith.constant 0 : i32
    %dma_wait3A_85 = tpu.memref_slice %arg4[%dma_wait3A_71, %dma_wait3A_82, %dma_wait3A_72, %dma_wait3A_83, %dma_wait3A_84] : memref<50x8x128x8x128xf32, #tpu.memory_space<hbm>> -> memref<1x8x1x8x128xf32, #tpu.memory_space<hbm>>
    %dma_wait3A_86 = tpu.memref_squeeze %dma_wait3A_85 : memref<1x8x1x8x128xf32, #tpu.memory_space<hbm>> -> memref<8x8x128xf32, #tpu.memory_space<hbm>>
    %dma_wait3A_87 = arith.constant 0 : i32
    %dma_wait3A_88 = arith.constant 0 : i32
    %dma_wait3A_89 = arith.constant 0 : i32
    %dma_wait3A_90 = tpu.memref_slice %arg11[%dma_wait3A_87, %dma_wait3A_88, %dma_wait3A_89] : memref<8x8x129xf32, #tpu.memory_space<vmem>> -> memref<8x8x128xf32, #tpu.memory_space<vmem>>
    tpu.wait_dma2 semaphore(%arg13 : memref<!tpu.dma_semaphore, #tpu.memory_space<semaphore_mem>>) src(%dma_wait3A_90 : memref<8x8x128xf32, #tpu.memory_space<vmem>>) dst(%dma_wait3A_86 : memref<8x8x128xf32, #tpu.memory_space<hbm>>)
    return
  }
}

</mosaic_0001>

<sc_bundles>
// kernel: _sc_gather.3.cloned.1.call-start
scs
__scs_entry_jumppad:
0x0: {  	(pc) =	sbr.rel $0x88, $3  }
0x1: {  	(tag) =	ssettag $0x0;
	lr =	simm.s32 $0x1  }
0x2: {  	[smem:$0x3F9F] =	sst lr;
	_ =	strace $0xD0000000  }
0x3: {  	_ = 	snop  }
0x4: {  	_ = 	snop  }
0x5: {  	_ = 	snop  }
0x6: {  	_ = 	snop  }
0x7: {  	_ = 	snop  }
__scs_overlays_trampoline_lowered:
0x8: {  	[smem:$0x3FAE] =	sst s0  }
0x9: {  	[smem:$0x3FAF] =	sst s1  }
0xa: {  	[smem:$0x3FB0] =	sst s2  }
0xb: {  	[smem:$0x3FB1] =	sst s3  }
0xc: {  	[smem:$0x3FB2] =	sst s4  }
0xd: {  	[smem:$0x3FB3] =	sst s5  }
0xe: {  	[smem:$0x3FB4] =	sst s6  }
0xf: {  	[smem:$0x3FB5] =	sst s7  }
0x10: {  	[smem:$0x3FB6] =	sst s8  }
0x11: {  	[smem:$0x3FB7] =	sst s9;
	s0 =	simm.s32 @!p0 $0x0  }
0x12: {  	s1 =	sld [smem:$0x3F9D];
	s0 =	simm.s32 @p0 $0x1  }
0x13: {  	[smem:$0x3FB8] =	sst s0;
	s0 =	simm.s32 @!p1 $0x0  }
0x14: {  	s2 =	sld [smem:$0x3F9C];
	s0 =	simm.s32 @p1 $0x1  }
0x15: {  	[smem:$0x3FB9] =	sst s0;
	s0 =	simm.s32 @!p2 $0x0  }
0x16: {  	s3 =	sld [smem:$0x3FDB];
	s0 =	simm.s32 @p2 $0x1  }
0x17: {  	s4 =	simm.s32 $0x1BF5;
	[smem:$0x3FBB] =	sst s0  }
0x18: {  	s0 =	sld [smem:$0x3F9E];
	_ =	swait.ge [sflag:s4], $0x0  }
0x19: {  	s7 =	sld [smem:$0x3F9F]  }
0x1a: {  	s8 =	sadd.s32 $0xFFFFE003, lr  }
0x1b: {  	s9 =	sadd.s32 $0xFFFFFEF7, lr;
	s5 =	simm.s32 $0xFFFFFFFF;
	p2 =	slt.u32 s8, $0xFFFFF086  }
0x1c: {  	p1 =	slt.u32 s9, $0xF7A;
	s5 =	simm.s32 @!p2 $0x0  }
0x1d: {  	s5 =	simm.s32 @p1 $0x1;
	p0 =	seq.s32 s7, s2  }
0x1e: {  	s7 =	smul.u32 @!p0 $0xF7A, s2;
	p2 =	seq.s32 @!p0 s5, $0x0  }
0x1f: {  	s9 =	smul.u32 $0xF7A, s1;
	s8 =	simm.s32 @!p0 $0x1BF5;
	p2 =	por !p2, p0  }
0x20: {  	[sflag:s8] =	ssyncset.s32 @!p0 $0xFFFFF086;
	s6 =	sadd.s32 @!p0 s3, s7;
	s7 =	simm.s32 @!p0 $0x108  }
0x21: {  	s3 =	sadd.s32 s3, s9;
	s6 =	sadd.s32 @!p0 $0x88, s6;
	s7 =	simm.s32 @p2 $0x1082  }
0x22: {  	[simem:s7], [sflag:s8] =	dma.local @!p0 [hbm:s6], $0xF7A  }
0x23: {  	s9 =	sor.u32 $0xD0000000, s2;
	s6 =	simm.s32 $0x108;
	_ =	swait.ge @!p0 [sflag:s8], $0x0  }
0x24: {  	s3 =	sadd.s32 $0x88, s3;
	s6 =	simm.s32 @!p1 $0x1082;
	[sflag:s4] =	ssyncset.s32 $0xFFFFF086  }
0x25: {  	[simem:s6], [sflag:s4] =	dma.local [hbm:s3], $0xF7A  }
0x26: {  	[smem:$0x3F9F] =	sst s1;
	(tag) =	ssettag s2;
	_ =	strace s9  }
0x27: {  	s1 =	sld [smem:$0x3FAF]  }
0x28: {  	s2 =	sld [smem:$0x3FB0]  }
0x29: {  	s4 =	sld [smem:$0x3FB2]  }
0x2a: {  	p0 =	seq.s32 s5, $0x0;
	s5 =	sld [smem:$0x3FB3]  }
0x2b: {  	s6 =	sld [smem:$0x3FB4]  }
0x2c: {  	s7 =	sld [smem:$0x3FB5]  }
0x2d: {  	s3 =	simm.s32 $0x108;
	s8 =	sld [smem:$0x3FB6]  }
0x2e: {  	s3 =	simm.s32 @!p0 $0x1082;
	s9 =	sld [smem:$0x3FB7]  }
0x2f: {  	lr =	sadd.s32 s0, s3;
	s0 =	sld [smem:$0x3FAE]  }
0x30: {  	s3 =	sld [smem:$0x3FB1]  }
0x31: {  	[smem:$0x3FBA] =	sst s10  }
0x32: {  	s10 =	sld [smem:$0x3FB8];
	_ =	sdelay $0x3  }
0x33: {  	p0 =	seq.s32 s10, $0x1;
	s10 =	sld [smem:$0x3FBA];
	_ =	sdelay $0x3  }
0x34: {  	[smem:$0x3FBA] =	sst s10  }
0x35: {  	s10 =	sld [smem:$0x3FB9];
	_ =	sdelay $0x3  }
0x36: {  	p1 =	seq.s32 s10, $0x1;
	s10 =	sld [smem:$0x3FBA];
	_ =	sdelay $0x3  }
0x37: {  	[smem:$0x3FBA] =	sst s10  }
0x38: {  	s10 =	sld [smem:$0x3FBB]  }
0x39: {  	_ = 	snop;
	(pc) =	sbr.ind lr, $3  }
0x3a: {  	_ = 	snop  }
0x3b: {  	_ = 	snop  }
0x3c: {  	p2 =	seq.s32 s10, $0x1;
	s10 =	sld [smem:$0x3FBA]  }
0x3d: {  	_ =	shalt  }
0x3e: {  	_ =	shalt  }
0x3f: {  	_ =	shalt  }
0x40: {  	_ =	shalt  }
0x41: {  	_ =	shalt  }
0x42: {  	_ =	shalt  }
0x43: {  	_ =	shalt  }
0x44: {  	_ =	shalt  }
0x45: {  	_ =	shalt  }
0x46: {  	_ =	shalt  }
0x47: {  	_ =	shalt  }
0x48: {  	_ =	shalt  }
0x49: {  	_ =	shalt  }
0x4a: {  	_ =	shalt  }
0x4b: {  	_ =	shalt  }
0x4c: {  	_ =	shalt  }
0x4d: {  	_ =	shalt  }
0x4e: {  	_ =	shalt  }
0x4f: {  	_ =	shalt  }
0x50: {  	_ =	shalt  }
0x51: {  	_ =	shalt  }
0x52: {  	_ =	shalt  }
0x53: {  	_ =	shalt  }
0x54: {  	_ =	shalt  }
0x55: {  	_ =	shalt  }
0x56: {  	_ =	shalt  }
0x57: {  	_ =	shalt  }
0x58: {  	_ =	shalt  }
0x59: {  	_ =	shalt  }
0x5a: {  	_ =	shalt  }
0x5b: {  	_ =	shalt  }
0x5c: {  	_ =	shalt  }
0x5d: {  	_ =	shalt  }
0x5e: {  	_ =	shalt  }
0x5f: {  	_ =	shalt  }
0x60: {  	_ =	shalt  }
0x61: {  	_ =	shalt  }
0x62: {  	_ =	shalt  }
0x63: {  	_ =	shalt  }
0x64: {  	_ =	shalt  }
0x65: {  	_ =	shalt  }
0x66: {  	_ =	shalt  }
0x67: {  	_ =	shalt  }
0x68: {  	_ =	shalt  }
0x69: {  	_ =	shalt  }
0x6a: {  	_ =	shalt  }
0x6b: {  	_ =	shalt  }
0x6c: {  	_ =	shalt  }
0x6d: {  	_ =	shalt  }
0x6e: {  	_ =	shalt  }
0x6f: {  	_ =	shalt  }
0x70: {  	_ =	shalt  }
0x71: {  	_ =	shalt  }
0x72: {  	_ =	shalt  }
0x73: {  	_ =	shalt  }
0x74: {  	_ =	shalt  }
0x75: {  	_ =	shalt  }
0x76: {  	_ =	shalt  }
0x77: {  	_ =	shalt  }
0x78: {  	_ =	shalt  }
0x79: {  	_ =	shalt  }
0x7a: {  	_ =	shalt  }
0x7b: {  	_ =	shalt  }
0x7c: {  	_ =	shalt  }
0x7d: {  	_ =	shalt  }
0x7e: {  	_ =	shalt  }
0x7f: {  	_ =	shalt  }
0x80: {  	_ =	shalt  }
0x81: {  	_ =	shalt  }
0x82: {  	_ =	shalt  }
0x83: {  	_ =	shalt  }
0x84: {  	_ =	shalt  }
0x85: {  	_ =	shalt  }
0x86: {  	_ =	shalt  }
0x87: {  	_ =	shalt  }
.Lfunc_end0:
.L_simem_size_0:
called_computation_lowered:
.L_overlay_start_0:
0x88: {  	s2 =	sld [smem:$0x3FD9]  }
0x89: {  	s3 =	sld [smem:$0x3FFE];
	_ =	sdelay $0x1  }
0x8a: {  	s1 =	srdreg.scid  }
0x8b: {  	s0 =	sand.u32 $0x1, s1  }
0x8c: {  	s17 =	sshll.u32 s0, $0xA;
	s2 =	sadd.s32 s3, s2  }
0x8d: {  	s2 =	sadd.s32 s2, s17  }
0x8e: {  	[smem:$0x3FC6] =	sst s2  }
0x8f: {  	_ = 	snop  }
0x90: {  	s2 =	sld [smem:$0x3FC8]  }
0x91: {  	s18 =	sld [smem:$0x3FD0];
	(tm) =	ssettm $0x1  }
0x92: {  	s4 =	sld [smem:$0x3FFB];
	_ =	sdelay $0x3  }
0x93: {  	_ =	strace s4  }
0x94: {  	s4 =	sld [smem:$0x3FFC];
	_ =	sdelay $0x3  }
0x95: {  	_ =	strace s4  }
0x96: {  	s4 =	sld [smem:$0x3FFD];
	_ =	sdelay $0x3  }
0x97: {  	_ =	strace s4  }
0x98: {  	_ =	strace $0x8FFFFFFF  }
0x99: {  	s19 =	sld [smem:$0x3FDB];
	_ =	sdelay $0x1  }
0x9a: {  	s5 =	simm.s32 $_scs_section_size  }
0x9b: {  	s6 =	simm.s32 $_size__tile_overlayer_lowered;
	s7 =	simm.s32 $_tile_overlayer_lowered  }
0x9c: {  	s22 =	simm.s32 $0x1BFF;
	s21 =	sshll.u32 s7, $0x1;
	s4 =	sadd.s32 s5, s19  }
0x9d: {  	s8 =	simm.s32 $0x0;
	s20 =	sshll.u32 s6, $0x1;
	s6 =	sadd.s32 s21, s4  }
0x9e: {  	[timem:s8], [sflag:s22] =	dma.local [hbm:s6], s20  }
0x9f: {  	_ =	swait.ge [sflag:s22], s20  }
0xa0: {  	s5 =	ssub.s32 $0x0, s20;
	[sflag:s22] =	ssyncset.done $0x0  }
0xa1: {  	[sflag:s22] =	ssyncadd.s32 s5;
	_ =	sdelay $0x1  }
0xa2: {  	s23 =	simm.s32 $0x1B8B  }
0xa3: {  	_ =	swait.ge [sflag:s23], $0x1  }
0xa4: {  	[sflag:s23] =	ssyncset.done $0x0  }
0xa5: {  	s25 =	simm.s32 $0x1B8E;
	s24 =	sld [smem:$0x3FFE];
	[sflag:s23] =	ssyncadd.s32 $0xFFFFFFFF  }
0xa6: {  	s26 =	simm.s32 $execute0_lowered;
	[smem:$0x3FD2] =	sst s25  }
0xa7: {  	s6 =	sshll.u32 s26, $0x1;
	_ =	strace $0x80000046;
	[dreg:$0x1] =	wrdreg $0xFFFFFFFF  }
0xa8: {  	s28 =	simm.s32 $_size_execute0_lowered;
	s4 =	sadd.s32 s4, s6;
	[dreg:$0x0] =	wrdreg $0x0  }
0xa9: {  	s6 =	sshll.u32 s28, $0x1;
	[dreg:$0x2] =	wrdreg s4  }
0xaa: {  	[dreg:$0x3] =	wrdreg s6  }
0xab: {  	[dreg:$0x4] =	wrdreg $0xC0  }
0xac: {  	_ =	task [dreg:s8], $0x5FFFF  }
0xad: {  	[dreg:$0x1] =	wrdreg $0xFFFFFFFF  }
0xae: {  	[dreg:$0x0] =	wrdreg $0x60  }
0xaf: {  	[dreg:$0x2] =	wrdreg s24  }
0xb0: {  	[dreg:$0x3] =	wrdreg s2  }
0xb1: {  	[dreg:$0x4] =	wrdreg s18  }
0xb2: {  	[dreg:$0x5] =	wrdreg $0x9  }
0xb3: {  	_ =	task.clear_ibuf [dreg:s8], $0x6FFFF;
	_ =	strace $0x90000046  }
0xb4: {  	s29 =	simm.s32 $0x9;
	_ =	strace $0x80000048  }
0xb5: {  	_ =	swait.ge [sflag:s29], $0x1  }
0xb6: {  	[sflag:s29] =	ssyncadd.s32 $0xFFFFFFFF  }
0xb7: {  	_ =	strace $0x90000048  }
0xb8: {  	_ =	sfence  }
0xb9: {  	s30 =	sld [smem:$0x0];
	_ =	sdelay $0x2  }
0xba: {  	s31 =	sshll.u32 s1, $0xD;
	s1 =	sshrl.u32 s1, $0x2  }
0xbb: {  	s3 =	sand.u32 $0x4000, s31;
	s1 =	sadd.s32 s1, s30  }
0xbc: {  	s0 =	sor.u32 s3, s0;
	s1 =	sshll.u32 s1, $0x11  }
0xbd: {  	s0 =	sor.u32 s1, s0  }
0xbe: {  	s0 =	sadd.s32 $0x8F2B, s0  }
0xbf: {  	[sflag:s0] =	ssyncadd.remote.s32 $0x1  }
0xc0: {  	_ =	sfence.sel $0xFFFF  }
0xc1: {  	[dreg:$0x0] =	wrdreg $0xFFFFFFFF;
	(pc) =	sbr.abs _section_cstart, $3  }
0xc2: {  	[dreg:$0x1] =	wrdreg $0xFFFFFFFF  }
0xc3: {  	_ =	task.clear_ibuf [dreg:s8], $0x2FFFF;
	_ =	strace $0x9FFFFFFF  }
0xc4: {  	(tm) =	ssettm $0x7FFFFFFF  }
0xc5: {  	_ =	shalt  }
tec
execute0_lowered:
.L_overlay_start_1:
0x0: {  	(tag) =	ssettag $0x1  }
0x1: {  	v0 =	vlaneseq.u32  }
0x2: {  	s4 =	rddreg [dreg:$0x0];
	v0 =	vmul.u32 $0x88, v0  }
0x3: {  	s5 =	rddreg [dreg:$0x1];
	v1 =	vimm.s32 $0x0;
	vm0 =	vcmask $0x300  }
0x4: {  	s1 =	rddreg [dreg:$0x2];
	v1 =	vsel vm0, $0x3, v1;
	v2 =	vadd.s32 $0x880, v0  }
0x5: {  	s3 =	srdreg.scid;
	s0 =	stileid.u32;
	v3 =	vadd.s32 $0x1100, v0;
	v4 =	vadd.s32 $0x1980, v0;
	v5 =	vor.u32 $0x1, v0  }
0x6: {  	s2 =	rddreg [dreg:$0x3];
	s10 =	simm.s32 $0x6400;
	s11 =	simm.s32 $0x8400;
	v6 =	vadd.s32 $0x881, v0;
	v7 =	vadd.s32 $0x1101, v0;
	v8 =	vadd.s32 $0x1981, v0  }
0x7: {  	s12 =	simm.s32 $0x100;
	s13 =	simm.s32 $0xA400;
	s14 =	simm.s32 $0x1;
	v9 =	vor.u32 $0x2, v0;
	v10 =	vadd.s32 $0x882, v0;
	v11 =	vadd.s32 $0x1102, v0  }
0x8: {  	s15 =	simm.s32 $0xC400;
	s16 =	simm.s32 $0xE400;
	s17 =	simm.s32 $0x10600;
	v12 =	vadd.s32 $0x1982, v0;
	v13 =	vor.u32 $0x3, v0;
	v14 =	vadd.s32 $0x883, v0  }
0x9: {  	s18 =	simm.s32 $0x2;
	s19 =	simm.s32 $0x0;
	s6 =	sand.u32 $0x1, s3;
	v15 =	vadd.s32 $0x1103, v0;
	v16 =	vadd.s32 $0x1983, v0;
	v17 =	vor.u32 $0x4, v0  }
0xa: {  	s7 =	sshll.u32 s0, $0x1;
	s3 =	simm.s32 $0x0;
	s4 =	sadd.s32 $0xF42800, s4;
	v18 =	vadd.s32 $0x884, v0;
	v19 =	vadd.s32 $0x1104, v0;
	v20 =	vadd.s32 $0x1984, v0  }
0xb: {  	s8 =	ssub.s32 $0x2, s6;
	s6 =	sor.u32 s6, s7;
	[smem:$0x7FF] =	sst s3;
	v21 =	vor.u32 $0x5, v0;
	v22 =	vadd.s32 $0x885, v0;
	v23 =	vadd.s32 $0x1105, v0  }
0xc: {  	s31 =	sshrl.u32 s8, $0x1;
	s9 =	smul.u32 $0xC80, s6;
	_ =	strace $0x80000047;
	v24 =	vadd.s32 $0x1985, v0;
	v25 =	vor.u32 $0x6, v0;
	v26 =	vadd.s32 $0x886, v0  }
0xd: {  	s6 =	smul.u32 $0xC8, s6;
	v27 =	vadd.s32 $0x1106, v0;
	v28 =	vadd.s32 $0x1986, v0;
	v29 =	vor.u32 $0x7, v0;
	s7 =	ssub.s32 s8, s31;
	s8 =	simm.s32 $0x3  }
0xe: {  	v30 =	vadd.s32 $0x887, v0;
	v31 =	vadd.s32 $0x1107, v0;
	v32 =	vadd.s32 $0x1987, v0;
	s5 =	sadd.s32 s5, s9;
	s7 =	smax.u32 s7, $0x1;
	s9 =	simm.s32 $0x80  }
.LBB2_1:
0xf: {  	[tilespmem:s3], [sflag:$0x3] =	stream.linear.gather [hbm4b:s5+s3], $0x6400, $0x38;
	[tilespmem:$0x12800] =	vst v63  }
0x10: {  	_ =	swait.ge [sflag:s8], $0x6400  }
0x11: {  	[sflag:s8] =	ssyncset.done $0x0  }
0x12: {  	[sflag:s8] =	ssyncadd.s32 $0xFFFF9C00  }
0x13: {  	[tilespmem:s10], [sflag:$0x1] =	stream.indirect.gather [hbm4b:s4+s9], $0x40, s3, s9, $0xb8;
	[tilespmem:$0x12800] =	vst v63  }
0x14: {  	_ = 	snop  }
0x15: {  	[tilespmem:s11], [sflag:$0x1] =	stream.indirect.gather [hbm4b:s4+s9], $0x40, s9, s9, $0xb8;
	[tilespmem:$0x12800] =	vst v63  }
0x16: {  	s20 =	simm.s32 $0x0  }
0x17: {  	[tilespmem:s13], [sflag:$0x1] =	stream.indirect.gather [hbm4b:s4+s9], $0x40, s12, s9, $0xb8;
	[tilespmem:$0x12800] =	vst v63  }
.LBB2_2:
0x18: {  	_ =	swait.ge [sflag:s14], $0x2000;
	p0 =	seq.s32 s20, $0x0  }
0x19: {  	s21 =	simm.s32 $0x0;
	s31 =	simm.s32 $0x1;
	s23 =	simm.s32 $0x2  }
0x1a: {  	s24 =	simm.s32 $0x3;
	s26 =	simm.s32 $0x7;
	s28 =	simm.s32 $0x5;
	v33 =	vmov s21;
	v34 =	vmov s31;
	v35 =	vmov s23  }
0x1b: {  	s30 =	simm.s32 $0x6;
	[sflag:s14] =	ssyncset.done $0x0;
	v36 =	vmov s24;
	s24 =	simm.s32 $0x4;
	v38 =	vmov s26;
	v39 =	vmov s28  }
0x1c: {  	s22 =	sshll.u32 s20, $0x2;
	s25 =	simm.s32 @!p0 $0x2;
	v40 =	vmov s30;
	[sflag:s14] =	ssyncadd.s32 $0xFFFFE000;
	v33 =	vshrl.u32 v33, $0x3;
	v37 =	vmov s24  }
0x1d: {  	s21 =	sor.u32 $0x3, s22;
	v38 =	vshrl.u32 v38, $0x3;
	v34 =	vshrl.u32 v34, $0x3;
	v35 =	vshrl.u32 v35, $0x3;
	_ =	swait.ge @!p0 [sflag:s25], $0x2000  }
0x1e: {  	s29 =	sshll.u32 s21, $0x7;
	v36 =	vshrl.u32 v36, $0x3;
	v55 =	vshrl.u32 v39, $0x3;
	v38 =	vshll.u32 v38, v1;
	[sflag:s25] =	ssyncset.done @!p0 $0x0  }
0x1f: {  	s23 =	simm.s32 $0x6500;
	v40 =	vshrl.u32 v40, $0x3;
	v33 =	vshll.u32 v33, v1;
	s24 =	sand.u32 $0x3FFFFF80, s29;
	v38 =	vbroadcast v38, $0x0;
	[sflag:s25] =	ssyncadd.s32 @!p0 $0xFFFFE000  }
0x20: {  	v37 =	vshrl.u32 v37, $0x3;
	v34 =	vshll.u32 v34, v1;
	v33 =	vbroadcast v33, $0x0;
	[tilespmem:s15], [sflag:$0x1] =	stream.indirect.gather [hbm4b:s4+s9], $0x40, s24, s9, $0xb8;
	[tilespmem:$0x12800] =	vst v63  }
0x21: {  	v52 =	vshll.u32 v35, v1;
	v45 =	vbroadcast v34, $0x0;
	v42 =	vadd.s32 v29, v38;
	v41 =	vld [tilespmem:s23+$0xC0]  }
0x22: {  	v53 =	vshll.u32 v36, v1;
	v52 =	vbroadcast v52, $0x0;
	v44 =	vadd.s32 v0, v33;
	v43 =	vld [tilespmem:s23+$0xFFFFFF00]  }
0x23: {  	v35 =	vbroadcast v53, $0x0;
	v54 =	vshll.u32 v37, v1;
	v47 =	vadd.s32 v5, v45;
	v46 =	vld [tilespmem:s23+$0xFFFFFF40]  }
0x24: {  	v36 =	vshll.u32 v55, v1;
	v34 =	vbroadcast v54, $0x0;
	v49 =	vadd.s32 v9, v52;
	v48 =	vld [tilespmem:s23+$0xFFFFFF80]  }
0x25: {  	v56 =	vshll.u32 v40, v1;
	v37 =	vbroadcast v36, $0x0;
	v50 =	vadd.s32 v13, v35;
	v39 =	vld [tilespmem:s23+$0xFFFFFFC0]  }
0x26: {  	v36 =	vbroadcast v56, $0x0;
	v51 =	vld [tilespmem:s23+$0x0];
	v53 =	vadd.s32 v17, v34;
	[tilespmem:v42+s16+$0x0] =	vst.idx.msk $0xffff, v41  }
0x27: {  	v60 =	vadd.s32 v21, v37;
	v59 =	vld [tilespmem:s23+$0x40];
	[tilespmem:v44+s16+$0x0] =	vst.idx.msk $0xffff, v43  }
0x28: {  	v62 =	vadd.s32 v25, v36;
	v61 =	vld [tilespmem:s23+$0x80];
	[tilespmem:v47+s16+$0x0] =	vst.idx.msk $0xffff, v46  }
0x29: {  	v58 =	vadd.s32 v30, v38;
	[tilespmem:v49+s16+$0x0] =	vst.idx.msk $0xffff, v48;
	v57 =	vld [tilespmem:s23+$0xD0]  }
0x2a: {  	v63 =	vadd.s32 v6, v45;
	[tilespmem:v50+s16+$0x0] =	vst.idx.msk $0xffff, v39;
	v47 =	vld [tilespmem:s23+$0xFFFFFF50]  }
0x2b: {  	v55 =	vadd.s32 v10, v52;
	[tilespmem:v53+s16+$0x0] =	vst.idx.msk $0xffff, v51;
	v54 =	vld [tilespmem:s23+$0xFFFFFF90]  }
0x2c: {  	v56 =	vadd.s32 v14, v35;
	[tilespmem:v60+s16+$0x0] =	vst.idx.msk $0xffff, v59;
	v50 =	vld [tilespmem:s23+$0xFFFFFFD0]  }
0x2d: {  	[tilespmem:v62+s16+$0x0] =	vst.idx.msk $0xffff, v61;
	v46 =	vadd.s32 v22, v37;
	v44 =	vld [tilespmem:s23+$0x50]  }
0x2e: {  	v59 =	vadd.s32 v18, v34;
	[tilespmem:v58+s16+$0x0] =	vst.idx.msk $0xffff, v57;
	v58 =	vld [tilespmem:s23+$0x10]  }
0x2f: {  	v57 =	vadd.s32 v31, v38;
	[tilespmem:v63+s16+$0x0] =	vst.idx.msk $0xffff, v47;
	v40 =	vld [tilespmem:s23+$0xE0]  }
0x30: {  	v60 =	vadd.s32 v26, v36;
	[tilespmem:v55+s16+$0x0] =	vst.idx.msk $0xffff, v54;
	v63 =	vld [tilespmem:s23+$0x90]  }
0x31: {  	v62 =	vadd.s32 v2, v33;
	v61 =	vld [tilespmem:s23+$0xFFFFFF10];
	[tilespmem:v56+s16+$0x0] =	vst.idx.msk $0xffff, v50  }
0x32: {  	v51 =	vadd.s32 v7, v45;
	[tilespmem:v46+s16+$0x0] =	vst.idx.msk $0xffff, v44;
	v50 =	vld [tilespmem:s23+$0xFFFFFF60]  }
0x33: {  	v56 =	vadd.s32 v11, v52;
	v55 =	vld [tilespmem:s23+$0xFFFFFFA0];
	[tilespmem:v59+s16+$0x0] =	vst.idx.msk $0xffff, v58  }
0x34: {  	v58 =	vadd.s32 v15, v35;
	[tilespmem:v57+s16+$0x0] =	vst.idx.msk $0xffff, v40;
	v57 =	vld [tilespmem:s23+$0xFFFFFFE0]  }
0x35: {  	[tilespmem:v60+s16+$0x0] =	vst.idx.msk $0xffff, v63;
	v60 =	vadd.s32 v19, v34;
	v59 =	vld [tilespmem:s23+$0x20]  }
0x36: {  	s25 =	simm.s32 $0x9;
	v38 =	vadd.s32 v32, v38;
	[tilespmem:v62+s16+$0x0] =	vst.idx.msk $0xffff, v61;
	v54 =	vld [tilespmem:s23+$0xF0]  }
0x37: {  	s31 =	simm.s32 $0x8;
	v41 =	vadd.s32 v23, v37;
	v53 =	vmov s25;
	[tilespmem:v51+s16+$0x0] =	vst.idx.msk $0xffff, v50;
	v40 =	vld [tilespmem:s23+$0x60]  }
0x38: {  	s28 =	simm.s32 $0xB;
	s29 =	simm.s32 $0xC;
	v43 =	vadd.s32 v27, v36;
	v48 =	vadd.s32 v3, v33;
	v63 =	vmov s31;
	v42 =	vld [tilespmem:s23+$0xA0];
	[tilespmem:v56+s16+$0x0] =	vst.idx.msk $0xffff, v55  }
0x39: {  	v44 =	vmov s28;
	v47 =	vmov s29;
	v46 =	vld [tilespmem:s23+$0xFFFFFF20];
	s31 =	simm.s32 $0xE;
	v39 =	vshrl.u32 v63, $0x3;
	[tilespmem:v58+s16+$0x0] =	vst.idx.msk $0xffff, v57  }
0x3a: {  	s26 =	simm.s32 $0xA;
	s30 =	simm.s32 $0xD;
	v51 =	vadd.s32 v8, v45;
	v49 =	vld [tilespmem:s23+$0xFFFFFF70];
	v45 =	vshll.u32 v39, v1;
	v39 =	vmov s31;
	[tilespmem:v60+s16+$0x0] =	vst.idx.msk $0xffff, v59  }
0x3b: {  	s24 =	simm.s32 $0x10;
	s25 =	simm.s32 $0xF;
	v52 =	vadd.s32 v12, v52;
	v50 =	vld [tilespmem:s23+$0xFFFFFFB0];
	[tilespmem:v38+s16+$0x0] =	vst.idx.msk $0xffff, v54;
	v54 =	vmov s26;
	v38 =	vmov s30  }
.LBB2_3:
0x3c: {  	p1 =	slt.u32 s24, $0x78;
	v53 =	vshrl.u32 v53, $0x3;
	v55 =	vmov s25;
	v56 =	vld [tilespmem:s23+$0xFFFFFFF0];
	v35 =	vadd.s32 v16, v35;
	[tilespmem:v41+s16+$0x0] =	vst.idx.msk $0xffff, v40  }
0x3d: {  	v40 =	vshrl.u32 v54, $0x3;
	v34 =	vadd.s32 v20, v34;
	v41 =	vshrl.u32 v55, $0x3;
	v54 =	vld [tilespmem:s23+$0x30];
	[tilespmem:v43+s16+$0x0] =	vst.idx.msk $0xffff, v42  }
0x3e: {  	v37 =	vadd.s32 v24, v37;
	v42 =	vshrl.u32 v44, $0x3;
	v41 =	vshll.u32 v41, v1;
	[tilespmem:v48+s16+$0x0] =	vst.idx.msk $0xffff, v46;
	v43 =	vld [tilespmem:s23+$0x70]  }
0x3f: {  	v36 =	vadd.s32 v28, v36;
	v44 =	vshrl.u32 v47, $0x3;
	v41 =	vbroadcast v41, $0x0;
	[tilespmem:v51+s16+$0x0] =	vst.idx.msk $0xffff, v49;
	v46 =	vld [tilespmem:s23+$0xB0]  }
0x40: {  	v47 =	vshll.u32 v53, v1;
	v49 =	vadd.s32 v4, v33;
	v33 =	vbroadcast v45, $0x0;
	v48 =	vld [tilespmem:s23+$0xFFFFFF30];
	[tilespmem:v52+s16+$0x0] =	vst.idx.msk $0xffff, v50;
	s23 =	sadd.s32 $0x200, s23  }
0x41: {  	v40 =	vshll.u32 v40, v1;
	v45 =	vbroadcast v47, $0x0;
	v47 =	vld [tilespmem:s23+$0xC0];
	v50 =	vadd.s32 v29, v41;
	[tilespmem:v35+s16+$0x0] =	vst.idx.msk $0xffff, v56  }
0x42: {  	v55 =	vbroadcast v40, $0x0;
	v52 =	vadd.s32 v0, v33;
	v35 =	vshll.u32 v42, v1;
	v51 =	vld [tilespmem:s23+$0xFFFFFF00];
	[tilespmem:v34+s16+$0x0] =	vst.idx.msk $0xffff, v54  }
0x43: {  	v42 =	vadd.s32 v5, v45;
	v35 =	vbroadcast v35, $0x0;
	v34 =	vshll.u32 v44, v1;
	v40 =	vld [tilespmem:s23+$0xFFFFFF40];
	[tilespmem:v37+s16+$0x0] =	vst.idx.msk $0xffff, v43  }
0x44: {  	v44 =	vadd.s32 v9, v55;
	v34 =	vbroadcast v34, $0x0;
	v37 =	vshrl.u32 v38, $0x3;
	v43 =	vld [tilespmem:s23+$0xFFFFFF80];
	[tilespmem:v36+s16+$0x0] =	vst.idx.msk $0xffff, v46  }
0x45: {  	v39 =	vshrl.u32 v39, $0x3;
	v46 =	vadd.s32 v13, v35;
	v36 =	vshll.u32 v37, v1;
	v38 =	vld [tilespmem:s23+$0xFFFFFFC0];
	[tilespmem:v49+s16+$0x0] =	vst.idx.msk $0xffff, v48  }
0x46: {  	v49 =	vadd.s32 v17, v34;
	v37 =	vbroadcast v36, $0x0;
	v36 =	vshll.u32 v39, v1;
	v48 =	vld [tilespmem:s23+$0x0];
	[tilespmem:v50+s16+$0x0] =	vst.idx.msk $0xffff, v47  }
0x47: {  	v36 =	vbroadcast v36, $0x0;
	v47 =	vadd.s32 v30, v41;
	[tilespmem:v52+s16+$0x0] =	vst.idx.msk $0xffff, v51;
	v39 =	vld [tilespmem:s23+$0xD0]  }
0x48: {  	[tilespmem:v42+s16+$0x0] =	vst.idx.msk $0xffff, v40;
	v40 =	vld [tilespmem:s23+$0x40];
	v42 =	vadd.s32 v21, v37  }
0x49: {  	[tilespmem:v44+s16+$0x0] =	vst.idx.msk $0xffff, v43;
	v43 =	vld [tilespmem:s23+$0x80];
	v44 =	vadd.s32 v25, v36  }
0x4a: {  	v51 =	vadd.s32 v6, v45;
	v50 =	vld [tilespmem:s23+$0xFFFFFF50];
	[tilespmem:v46+s16+$0x0] =	vst.idx.msk $0xffff, v38  }
0x4b: {  	v46 =	vadd.s32 v10, v55;
	v38 =	vld [tilespmem:s23+$0xFFFFFF90];
	[tilespmem:v49+s16+$0x0] =	vst.idx.msk $0xffff, v48  }
0x4c: {  	v49 =	vadd.s32 v14, v35;
	v48 =	vld [tilespmem:s23+$0xFFFFFFD0];
	[tilespmem:v47+s16+$0x0] =	vst.idx.msk $0xffff, v39  }
0x4d: {  	[tilespmem:v42+s16+$0x0] =	vst.idx.msk $0xffff, v40;
	v39 =	vld [tilespmem:s23+$0xE0];
	v40 =	vadd.s32 v31, v41  }
0x4e: {  	v47 =	vadd.s32 v18, v34;
	v42 =	vld [tilespmem:s23+$0x10];
	[tilespmem:v44+s16+$0x0] =	vst.idx.msk $0xffff, v43  }
0x4f: {  	v44 =	vadd.s32 v22, v37;
	[tilespmem:v51+s16+$0x0] =	vst.idx.msk $0xffff, v50;
	v43 =	vld [tilespmem:s23+$0x50]  }
0x50: {  	[tilespmem:v46+s16+$0x0] =	vst.idx.msk $0xffff, v38;
	v38 =	vld [tilespmem:s23+$0x90];
	v46 =	vadd.s32 v26, v36  }
0x51: {  	v51 =	vadd.s32 v2, v33;
	v50 =	vld [tilespmem:s23+$0xFFFFFF10];
	[tilespmem:v49+s16+$0x0] =	vst.idx.msk $0xffff, v48  }
0x52: {  	v49 =	vadd.s32 v7, v45;
	v48 =	vld [tilespmem:s23+$0xFFFFFF60];
	[tilespmem:v40+s16+$0x0] =	vst.idx.msk $0xffff, v39  }
0x53: {  	[tilespmem:v47+s16+$0x0] =	vst.idx.msk $0xffff, v42;
	v39 =	vld [tilespmem:s23+$0xF0];
	v47 =	vadd.s32 v32, v41  }
0x54: {  	v56 =	vadd.s32 v11, v55;
	v52 =	vld [tilespmem:s23+$0xFFFFFFA0];
	[tilespmem:v44+s16+$0x0] =	vst.idx.msk $0xffff, v43  }
0x55: {  	v58 =	vadd.s32 v15, v35;
	v57 =	vld [tilespmem:s23+$0xFFFFFFE0];
	[tilespmem:v46+s16+$0x0] =	vst.idx.msk $0xffff, v38  }
0x56: {  	v60 =	vadd.s32 v19, v34;
	[tilespmem:v51+s16+$0x0] =	vst.idx.msk $0xffff, v50;
	v59 =	vld [tilespmem:s23+$0x20]  }
.Ltmp0:
0x57: {  	s25 =	sadd.s32 $0x1, s24;
	v41 =	vadd.s32 v23, v37;
	v38 =	vmov s24;
	[tilespmem:v49+s16+$0x0] =	vst.idx.msk $0xffff, v48;
	v40 =	vld [tilespmem:s23+$0x60];
	(pc) =	sbr.rel @p1 .LBB2_3-.Ltmp0, $4  }
0x58: {  	s26 =	sadd.s32 $0x3, s24;
	v53 =	vmov s25;
	s25 =	sadd.s32 $0x2, s24;
	v43 =	vadd.s32 v27, v36;
	v50 =	vshrl.u32 v38, $0x3;
	v42 =	vld [tilespmem:s23+$0xA0];
	[tilespmem:v47+s16+$0x0] =	vst.idx.msk $0xffff, v39  }
0x59: {  	v54 =	vmov s25;
	s25 =	sadd.s32 $0x4, s24;
	v44 =	vmov s26;
	s26 =	sadd.s32 $0x5, s24;
	v48 =	vadd.s32 v3, v33;
	v46 =	vld [tilespmem:s23+$0xFFFFFF20];
	[tilespmem:v56+s16+$0x0] =	vst.idx.msk $0xffff, v52  }
0x5a: {  	v38 =	vmov s26;
	v51 =	vadd.s32 v8, v45;
	v47 =	vmov s25;
	s25 =	sadd.s32 $0x6, s24;
	v49 =	vld [tilespmem:s23+$0xFFFFFF70];
	[tilespmem:v58+s16+$0x0] =	vst.idx.msk $0xffff, v57  }
0x5b: {  	v45 =	vshll.u32 v50, v1;
	v39 =	vmov s25;
	s25 =	sadd.s32 $0x7, s24;
	s24 =	sadd.s32 $0x8, s24;
	v52 =	vadd.s32 v12, v55;
	v50 =	vld [tilespmem:s23+$0xFFFFFFB0];
	[tilespmem:v60+s16+$0x0] =	vst.idx.msk $0xffff, v59  }
0x5c: {  	_ =	sdelay $0x2  }
0x5d: {  	v53 =	vshrl.u32 v53, $0x3  }
0x5e: {  	v55 =	vmov s25;
	v56 =	vld [tilespmem:s23+$0xFFFFFFF0];
	v35 =	vadd.s32 v16, v35;
	[tilespmem:v41+s16+$0x0] =	vst.idx.msk $0xffff, v40;
	v57 =	vshrl.u32 v54, $0x3  }
0x5f: {  	v59 =	vld [tilespmem:s23+$0x30];
	v34 =	vadd.s32 v20, v34;
	v60 =	vshrl.u32 v44, $0x3;
	v58 =	vshrl.u32 v55, $0x3;
	[tilespmem:v43+s16+$0x0] =	vst.idx.msk $0xffff, v42  }
0x60: {  	v37 =	vadd.s32 v24, v37;
	v62 =	vshrl.u32 v47, $0x3;
	v61 =	vld [tilespmem:s23+$0x70];
	v41 =	vshll.u32 v58, v1;
	[tilespmem:v48+s16+$0x0] =	vst.idx.msk $0xffff, v46  }
0x61: {  	v36 =	vadd.s32 v28, v36;
	v45 =	vbroadcast v45, $0x0;
	v63 =	vld [tilespmem:s23+$0xB0];
	v41 =	vbroadcast v41, $0x0;
	[tilespmem:v51+s16+$0x0] =	vst.idx.msk $0xffff, v49  }
0x62: {  	v33 =	vadd.s32 v4, v33;
	s30 =	sadd.s32 $0x200, s23;
	v38 =	vshrl.u32 v38, $0x3;
	v55 =	vshll.u32 v53, v1;
	v48 =	vld [tilespmem:s23+$0xFFFFFF30];
	[tilespmem:v52+s16+$0x0] =	vst.idx.msk $0xffff, v50  }
0x63: {  	v40 =	vshll.u32 v57, v1;
	v47 =	vbroadcast v55, $0x0;
	v49 =	vld [tilespmem:s30+$0xC0];
	v50 =	vadd.s32 v29, v41;
	[tilespmem:v35+s16+$0x0] =	vst.idx.msk $0xffff, v56  }
0x64: {  	v42 =	vshll.u32 v60, v1;
	v40 =	vbroadcast v40, $0x0;
	v35 =	vld [tilespmem:s30+$0xFFFFFF00];
	v56 =	vadd.s32 v0, v45;
	[tilespmem:v34+s16+$0x0] =	vst.idx.msk $0xffff, v59  }
0x65: {  	v57 =	vld [tilespmem:s30+$0xFFFFFF40];
	v44 =	vshll.u32 v62, v1;
	v42 =	vbroadcast v42, $0x0;
	v58 =	vadd.s32 v5, v47;
	[tilespmem:v37+s16+$0x0] =	vst.idx.msk $0xffff, v61  }
0x66: {  	v38 =	vshll.u32 v38, v1;
	v44 =	vbroadcast v44, $0x0;
	v60 =	vadd.s32 v9, v40;
	v59 =	vld [tilespmem:s30+$0xFFFFFF80];
	[tilespmem:v36+s16+$0x0] =	vst.idx.msk $0xffff, v63  }
0x67: {  	v38 =	vbroadcast v38, $0x0;
	v62 =	vadd.s32 v13, v42;
	v61 =	vld [tilespmem:s30+$0xFFFFFFC0];
	[tilespmem:v33+s16+$0x0] =	vst.idx.msk $0xffff, v48  }
0x68: {  	v39 =	vshrl.u32 v39, $0x3;
	v63 =	vadd.s32 v17, v44;
	v33 =	vld [tilespmem:s30+$0x0];
	[tilespmem:v50+s16+$0x0] =	vst.idx.msk $0xffff, v49  }
0x69: {  	v39 =	vshll.u32 v39, v1;
	v34 =	vld [tilespmem:s30+$0x40];
	[tilespmem:v56+s16+$0x0] =	vst.idx.msk $0xffff, v35;
	v56 =	vadd.s32 v21, v38  }
0x6a: {  	[tilespmem:v58+s16+$0x0] =	vst.idx.msk $0xffff, v57;
	v35 =	vbroadcast v39, $0x0;
	v49 =	vadd.s32 v30, v41;
	v39 =	vld [tilespmem:s30+$0xD0]  }
0x6b: {  	[tilespmem:v60+s16+$0x0] =	vst.idx.msk $0xffff, v59;
	v59 =	vld [tilespmem:s30+$0xFFFFFF50];
	v60 =	vadd.s32 v6, v47  }
0x6c: {  	v57 =	vld [tilespmem:s30+$0x80];
	[tilespmem:v62+s16+$0x0] =	vst.idx.msk $0xffff, v61;
	v58 =	vadd.s32 v25, v35  }
0x6d: {  	v61 =	vld [tilespmem:s30+$0xFFFFFF90];
	v62 =	vadd.s32 v10, v40;
	[tilespmem:v63+s16+$0x0] =	vst.idx.msk $0xffff, v33  }
0x6e: {  	v33 =	vld [tilespmem:s30+$0xFFFFFFD0];
	v63 =	vadd.s32 v14, v42;
	[tilespmem:v56+s16+$0x0] =	vst.idx.msk $0xffff, v34  }
0x6f: {  	v56 =	vadd.s32 v18, v44;
	[tilespmem:v49+s16+$0x0] =	vst.idx.msk $0xffff, v39;
	v49 =	vld [tilespmem:s30+$0x10]  }
0x70: {  	[tilespmem:v60+s16+$0x0] =	vst.idx.msk $0xffff, v59;
	v39 =	vadd.s32 v31, v41;
	v34 =	vld [tilespmem:s30+$0xE0]  }
0x71: {  	[tilespmem:v58+s16+$0x0] =	vst.idx.msk $0xffff, v57;
	v57 =	vld [tilespmem:s30+$0x50];
	v58 =	vadd.s32 v22, v38  }
0x72: {  	[tilespmem:v62+s16+$0x0] =	vst.idx.msk $0xffff, v61;
	v61 =	vld [tilespmem:s30+$0xFFFFFF10];
	v62 =	vadd.s32 v2, v45  }
0x73: {  	v60 =	vadd.s32 v26, v35;
	v59 =	vld [tilespmem:s30+$0x90];
	[tilespmem:v63+s16+$0x0] =	vst.idx.msk $0xffff, v33  }
0x74: {  	v55 =	vadd.s32 v11, v40;
	v54 =	vadd.s32 v32, v41;
	v41 =	vld [tilespmem:s30+$0xFFFFFFA0];
	[tilespmem:v56+s16+$0x0] =	vst.idx.msk $0xffff, v49  }
0x75: {  	v53 =	vadd.s32 v7, v47;
	v63 =	vld [tilespmem:s30+$0xFFFFFF60];
	[tilespmem:v39+s16+$0x0] =	vst.idx.msk $0xffff, v34  }
0x76: {  	v56 =	vld [tilespmem:s30+$0xFFFFFFE0];
	[tilespmem:v58+s16+$0x0] =	vst.idx.msk $0xffff, v57;
	v57 =	vadd.s32 v15, v42  }
0x77: {  	[tilespmem:v62+s16+$0x0] =	vst.idx.msk $0xffff, v61;
	v34 =	vld [tilespmem:s30+$0xF0]  }
0x78: {  	v58 =	vld [tilespmem:s30+$0x20];
	[tilespmem:v60+s16+$0x0] =	vst.idx.msk $0xffff, v59;
	v59 =	vadd.s32 v19, v44  }
0x79: {  	v61 =	vadd.s32 v23, v38;
	[tilespmem:v55+s16+$0x0] =	vst.idx.msk $0xffff, v41;
	v60 =	vld [tilespmem:s30+$0x60]  }
0x7a: {  	[tilespmem:v53+s16+$0x0] =	vst.idx.msk $0xffff, v63;
	v63 =	vadd.s32 v27, v35;
	v62 =	vld [tilespmem:s30+$0xA0]  }
0x7b: {  	v47 =	vadd.s32 v8, v47;
	v55 =	vld [tilespmem:s30+$0xFFFFFF70];
	[tilespmem:v57+s16+$0x0] =	vst.idx.msk $0xffff, v56  }
0x7c: {  	v53 =	vld [tilespmem:s30+$0xFFFFFF20];
	[tilespmem:v54+s16+$0x0] =	vst.idx.msk $0xffff, v34;
	v54 =	vadd.s32 v3, v45  }
0x7d: {  	v40 =	vadd.s32 v12, v40;
	v56 =	vld [tilespmem:s30+$0xFFFFFFB0];
	[tilespmem:v59+s16+$0x0] =	vst.idx.msk $0xffff, v58  }
0x7e: {  	v42 =	vadd.s32 v16, v42;
	v57 =	vld [tilespmem:s30+$0xFFFFFFF0];
	[tilespmem:v61+s16+$0x0] =	vst.idx.msk $0xffff, v60  }
0x7f: {  	v59 =	vadd.s32 v20, v44;
	v58 =	vld [tilespmem:s30+$0x30];
	[tilespmem:v63+s16+$0x0] =	vst.idx.msk $0xffff, v62  }
0x80: {  	v38 =	vadd.s32 v24, v38;
	v60 =	vld [tilespmem:s30+$0x70];
	[tilespmem:v47+s16+$0x0] =	vst.idx.msk $0xffff, v55  }
0x81: {  	v35 =	vadd.s32 v28, v35;
	v61 =	vld [tilespmem:s30+$0xB0];
	[tilespmem:v54+s16+$0x0] =	vst.idx.msk $0xffff, v53  }
0x82: {  	v63 =	vadd.s32 v4, v45;
	[tilespmem:v40+s16+$0x0] =	vst.idx.msk $0xffff, v56;
	v62 =	vld [tilespmem:s30+$0xFFFFFF30]  }
0x83: {  	s31 =	sadd.s32 s6, s22;
	[tilespmem:v42+s16+$0x0] =	vst.idx.msk $0xffff, v57  }
0x84: {  	s24 =	sshll.u32 s31, $0x7;
	[tilespmem:v59+s16+$0x0] =	vst.idx.msk $0xffff, v58  }
0x85: {  	s24 =	sand.u32 $0x3E00, s24;
	s23 =	sshll.u32 s31, $0xA;
	[tilespmem:v38+s16+$0x0] =	vst.idx.msk $0xffff, v60  }
0x86: {  	s24 =	sadd.s32 s1, s24;
	s23 =	sand.u32 $0xFFE0000, s23;
	[tilespmem:v35+s16+$0x0] =	vst.idx.msk $0xffff, v61  }
0x87: {  	s25 =	simm.s32 $0xE400;
	s24 =	sadd.s32 s23, s24;
	[tilespmem:v63+s16+$0x0] =	vst.idx.msk $0xffff, v62  }
0x88: {  	[hbm4b:s24+s3] =	stream.linear.scatter [tilespmem:s25], [sflag:$0x2], $0x80, $0x38;
	[tilespmem:$0x12800] =	vst v63  }
0x89: {  	s26 =	simm.s32 $0xE488;
	s29 =	sadd.s32 $0x10, s24  }
0x8a: {  	[hbm4b:s29+s3] =	stream.linear.scatter [tilespmem:s26], [sflag:$0x2], $0x80, $0x38;
	[tilespmem:$0x12800] =	vst v63  }
0x8b: {  	s23 =	simm.s32 $0x440;
	s31 =	sadd.s32 $0x20, s24;
	s30 =	simm.s32 $0xE510  }
0x8c: {  	[hbm4b:s31+s3] =	stream.linear.scatter [tilespmem:s30], [sflag:$0x2], $0x80, $0x38;
	[tilespmem:$0x12800] =	vst v63  }
0x8d: {  	s28 =	sadd.s32 $0x70, s24;
	s26 =	simm.s32 $0xE598;
	s29 =	sadd.s32 $0x30, s24  }
0x8e: {  	[hbm4b:s29+s3] =	stream.linear.scatter [tilespmem:s26], [sflag:$0x2], $0x80, $0x38;
	[tilespmem:$0x12800] =	vst v63  }
0x8f: {  	s25 =	simm.s32 $0x2200;
	s30 =	simm.s32 $0xE620;
	s31 =	sadd.s32 $0x40, s24  }
0x90: {  	[hbm4b:s31+s3] =	stream.linear.scatter [tilespmem:s30], [sflag:$0x2], $0x80, $0x38;
	[tilespmem:$0x12800] =	vst v63  }
0x91: {  	s26 =	simm.s32 $0xE6A8;
	s29 =	sadd.s32 $0x50, s24;
	s30 =	simm.s32 $0xE730  }
0x92: {  	[hbm4b:s29+s3] =	stream.linear.scatter [tilespmem:s26], [sflag:$0x2], $0x80, $0x38;
	[tilespmem:$0x12800] =	vst v63  }
0x93: {  	s31 =	sadd.s32 $0x60, s24;
	s24 =	sadd.s32 $0x4000, s24;
	s26 =	simm.s32 $0xE7B8  }
0x94: {  	[hbm4b:s31+s3] =	stream.linear.scatter [tilespmem:s30], [sflag:$0x2], $0x80, $0x38;
	[tilespmem:$0x12800] =	vst v63  }
.LBB2_5:
0x95: {  	[hbm4b:s28+s3] =	stream.linear.scatter [tilespmem:s26], [sflag:$0x2], $0x80, $0x38;
	[tilespmem:$0x12800] =	vst v63  }
0x96: {  	s26 =	smov.u32 s23;
	s23 =	smov.u32 s25  }
0x97: {  	s29 =	sadd.s32 $0x1100, s25;
	s23 =	sshra.s32 s23, $0x2;
	s28 =	sadd.s32 $0xE400, s26  }
0x98: {  	[hbm4b:s24+s3] =	stream.linear.scatter [tilespmem:s28], [sflag:$0x2], $0x80, $0x38;
	[tilespmem:$0x12800] =	vst v63  }
0x99: {  	p1 =	sne.s32 s25, $0x7700;
	s25 =	sadd.s32 $0xE488, s26;
	s28 =	sadd.s32 $0x10, s24  }
0x9a: {  	[hbm4b:s28+s3] =	stream.linear.scatter [tilespmem:s25], [sflag:$0x2], $0x80, $0x38;
	[tilespmem:$0x12800] =	vst v63  }
0x9b: {  	s25 =	sadd.s32 $0xE510, s26;
	s28 =	sadd.s32 $0x20, s24  }
0x9c: {  	[hbm4b:s28+s3] =	stream.linear.scatter [tilespmem:s25], [sflag:$0x2], $0x80, $0x38;
	[tilespmem:$0x12800] =	vst v63  }
0x9d: {  	s25 =	sadd.s32 $0xE598, s26;
	s28 =	sadd.s32 $0x30, s24  }
0x9e: {  	[hbm4b:s28+s3] =	stream.linear.scatter [tilespmem:s25], [sflag:$0x2], $0x80, $0x38;
	[tilespmem:$0x12800] =	vst v63  }
0x9f: {  	s25 =	sadd.s32 $0xE620, s26;
	s28 =	sadd.s32 $0x40, s24  }
0xa0: {  	[hbm4b:s28+s3] =	stream.linear.scatter [tilespmem:s25], [sflag:$0x2], $0x80, $0x38;
	[tilespmem:$0x12800] =	vst v63  }
.Ltmp1:
0xa1: {  	s25 =	sadd.s32 $0xE6A8, s26;
	s28 =	sadd.s32 $0x50, s24;
	(pc) =	sbr.rel @p1 .LBB2_5-.Ltmp1, $4  }
0xa2: {  	[hbm4b:s28+s3] =	stream.linear.scatter [tilespmem:s25], [sflag:$0x2], $0x80, $0x38;
	[tilespmem:$0x12800] =	vst v63  }
0xa3: {  	s25 =	sadd.s32 $0xE730, s26;
	s28 =	sadd.s32 $0x60, s24;
	s26 =	sadd.s32 $0xE7B8, s26  }
0xa4: {  	[hbm4b:s28+s3] =	stream.linear.scatter [tilespmem:s25], [sflag:$0x2], $0x80, $0x38;
	[tilespmem:$0x12800] =	vst v63  }
0xa5: {  	s28 =	sadd.s32 $0x70, s24;
	s24 =	sadd.s32 $0x4000, s24;
	s25 =	smov.u32 s29  }
0xa6: {  	[hbm4b:s28+s3] =	stream.linear.scatter [tilespmem:s26], [sflag:$0x2], $0x80, $0x38;
	[tilespmem:$0x12800] =	vst v63  }
0xa7: {  	s25 =	sadd.s32 $0xE400, s23  }
0xa8: {  	[hbm4b:s24+s3] =	stream.linear.scatter [tilespmem:s25], [sflag:$0x2], $0x80, $0x38;
	[tilespmem:$0x12800] =	vst v63  }
0xa9: {  	s28 =	sadd.s32 $0xE488, s23;
	s29 =	sadd.s32 $0x10, s24  }
0xaa: {  	[hbm4b:s29+s3] =	stream.linear.scatter [tilespmem:s28], [sflag:$0x2], $0x80, $0x38;
	[tilespmem:$0x12800] =	vst v63  }
0xab: {  	s30 =	sadd.s32 $0xE510, s23;
	s31 =	sadd.s32 $0x20, s24  }
0xac: {  	[hbm4b:s31+s3] =	stream.linear.scatter [tilespmem:s30], [sflag:$0x2], $0x80, $0x38;
	[tilespmem:$0x12800] =	vst v63  }
0xad: {  	s28 =	sadd.s32 $0xE598, s23;
	s29 =	sadd.s32 $0x30, s24  }
0xae: {  	[hbm4b:s29+s3] =	stream.linear.scatter [tilespmem:s28], [sflag:$0x2], $0x80, $0x38;
	[tilespmem:$0x12800] =	vst v63  }
0xaf: {  	s30 =	sadd.s32 $0xE620, s23;
	s31 =	sadd.s32 $0x40, s24  }
0xb0: {  	[hbm4b:s31+s3] =	stream.linear.scatter [tilespmem:s30], [sflag:$0x2], $0x80, $0x38;
	[tilespmem:$0x12800] =	vst v63  }
0xb1: {  	s28 =	sadd.s32 $0xE6A8, s23;
	s29 =	sadd.s32 $0x50, s24  }
0xb2: {  	[hbm4b:s29+s3] =	stream.linear.scatter [tilespmem:s28], [sflag:$0x2], $0x80, $0x38;
	[tilespmem:$0x12800] =	vst v63  }
0xb3: {  	s30 =	sadd.s32 $0xE730, s23;
	s31 =	sadd.s32 $0x60, s24  }
0xb4: {  	[hbm4b:s31+s3] =	stream.linear.scatter [tilespmem:s30], [sflag:$0x2], $0x80, $0x38;
	[tilespmem:$0x12800] =	vst v63  }
0xb5: {  	s26 =	sadd.s32 $0xE7B8, s23;
	s28 =	sadd.s32 $0x70, s24  }
0xb6: {  	[hbm4b:s28+s3] =	stream.linear.scatter [tilespmem:s26], [sflag:$0x2], $0x80, $0x38;
	[tilespmem:$0x12800] =	vst v63  }
0xb7: {  	p1 =	seq.s32 @!p0 s20, $0x31;
	s25 =	simm.s32 $0x3;
	_ =	swait.ge [sflag:s14], $0x2000  }
0xb8: {  	v36 =	vmov s25;
	s23 =	simm.s32 @!p0 $0x2;
	s29 =	simm.s32 $0x0;
	[sflag:s14] =	ssyncset.done $0x0  }
0xb9: {  	v36 =	vshrl.u32 v36, $0x3;
	v33 =	vmov s29;
	s29 =	simm.s32 $0x5;
	s30 =	simm.s32 $0x1;
	[sflag:s14] =	ssyncadd.s32 $0xFFFFE000  }
0xba: {  	v52 =	vshll.u32 v36, v1;
	s31 =	simm.s32 $0x2;
	v33 =	vshrl.u32 v33, $0x3;
	v39 =	vmov s29;
	s28 =	simm.s32 $0x7;
	_ =	swait.ge @!p0 [sflag:s23], $0x2000  }
0xbb: {  	p1 =	por p0, !p1;
	v34 =	vmov s30;
	v35 =	vmov s31;
	v38 =	vmov s28;
	[sflag:s23] =	ssyncset.done @!p0 $0x0  }
0xbc: {  	s30 =	simm.s32 $0x6;
	v33 =	vshll.u32 v33, v1;
	v55 =	vshrl.u32 v39, $0x3;
	v38 =	vshrl.u32 v38, $0x3;
	[sflag:s23] =	ssyncadd.s32 @!p0 $0xFFFFE000;
	s23 =	sshll.u32 @p1 s20, $0x9  }
0xbd: {  	v40 =	vmov s30;
	v34 =	vshrl.u32 v34, $0x3;
	v38 =	vshll.u32 v38, v1;
	s23 =	sand.u32 @p1 $0x3FFFFE00, s23  }
0xbe: {  	s24 =	simm.s32 $0x8500;
	s26 =	simm.s32 $0x4;
	v35 =	vshrl.u32 v35, $0x3;
	v33 =	vbroadcast v33, $0x0;
	v38 =	vbroadcast v38, $0x0;
	s23 =	sadd.s32 @p1 $0x200, s23  }
0xbf: {  	v36 =	vshll.u32 v55, v1;
	v37 =	vmov s26;
	v34 =	vshll.u32 v34, v1;
	[tilespmem:s10], [sflag:$0x1] =	stream.indirect.gather @p1 [hbm4b:s4+s9], $0x40, s23, s9, $0xb8;
	[tilespmem:$0x12800] =	vst v63  }
0xc0: {  	v51 =	vshll.u32 v35, v1;
	v47 =	vbroadcast v34, $0x0;
	v42 =	vadd.s32 v29, v38;
	v41 =	vld [tilespmem:s24+$0xC0]  }
0xc1: {  	v37 =	vshrl.u32 v37, $0x3;
	v44 =	vadd.s32 v0, v33;
	v53 =	vbroadcast v51, $0x0;
	v43 =	vld [tilespmem:s24+$0xFFFFFF00]  }
0xc2: {  	v35 =	vbroadcast v52, $0x0;
	v54 =	vshll.u32 v37, v1;
	v46 =	vadd.s32 v5, v47;
	v45 =	vld [tilespmem:s24+$0xFFFFFF40]  }
0xc3: {  	v40 =	vshrl.u32 v40, $0x3;
	v49 =	vadd.s32 v9, v53;
	v34 =	vbroadcast v54, $0x0;
	v48 =	vld [tilespmem:s24+$0xFFFFFF80]  }
0xc4: {  	v56 =	vshll.u32 v40, v1;
	v50 =	vadd.s32 v13, v35;
	v37 =	vbroadcast v36, $0x0;
	v39 =	vld [tilespmem:s24+$0xFFFFFFC0]  }
0xc5: {  	v36 =	vbroadcast v56, $0x0;
	v52 =	vadd.s32 v17, v34;
	v51 =	vld [tilespmem:s24+$0x0];
	[tilespmem:v42+s17+$0x0] =	vst.idx.msk $0xffff, v41  }
0xc6: {  	v60 =	vadd.s32 v21, v37;
	v59 =	vld [tilespmem:s24+$0x40];
	[tilespmem:v44+s17+$0x0] =	vst.idx.msk $0xffff, v43  }
0xc7: {  	v62 =	vadd.s32 v25, v36;
	v61 =	vld [tilespmem:s24+$0x80];
	[tilespmem:v46+s17+$0x0] =	vst.idx.msk $0xffff, v45  }
0xc8: {  	v58 =	vadd.s32 v30, v38;
	[tilespmem:v49+s17+$0x0] =	vst.idx.msk $0xffff, v48;
	v57 =	vld [tilespmem:s24+$0xD0]  }
0xc9: {  	v63 =	vadd.s32 v6, v47;
	[tilespmem:v50+s17+$0x0] =	vst.idx.msk $0xffff, v39;
	v46 =	vld [tilespmem:s24+$0xFFFFFF50]  }
0xca: {  	v55 =	vadd.s32 v10, v53;
	[tilespmem:v52+s17+$0x0] =	vst.idx.msk $0xffff, v51;
	v54 =	vld [tilespmem:s24+$0xFFFFFF90]  }
0xcb: {  	v56 =	vadd.s32 v14, v35;
	[tilespmem:v60+s17+$0x0] =	vst.idx.msk $0xffff, v59;
	v50 =	vld [tilespmem:s24+$0xFFFFFFD0]  }
0xcc: {  	[tilespmem:v62+s17+$0x0] =	vst.idx.msk $0xffff, v61;
	v45 =	vadd.s32 v22, v37;
	v44 =	vld [tilespmem:s24+$0x50]  }
0xcd: {  	v59 =	vadd.s32 v18, v34;
	[tilespmem:v58+s17+$0x0] =	vst.idx.msk $0xffff, v57;
	v58 =	vld [tilespmem:s24+$0x10]  }
0xce: {  	v57 =	vadd.s32 v31, v38;
	[tilespmem:v63+s17+$0x0] =	vst.idx.msk $0xffff, v46;
	v40 =	vld [tilespmem:s24+$0xE0]  }
0xcf: {  	v60 =	vadd.s32 v26, v36;
	[tilespmem:v55+s17+$0x0] =	vst.idx.msk $0xffff, v54;
	v63 =	vld [tilespmem:s24+$0x90]  }
0xd0: {  	v62 =	vadd.s32 v2, v33;
	v61 =	vld [tilespmem:s24+$0xFFFFFF10];
	[tilespmem:v56+s17+$0x0] =	vst.idx.msk $0xffff, v50  }
0xd1: {  	v51 =	vadd.s32 v7, v47;
	[tilespmem:v45+s17+$0x0] =	vst.idx.msk $0xffff, v44;
	v50 =	vld [tilespmem:s24+$0xFFFFFF60]  }
0xd2: {  	v56 =	vadd.s32 v11, v53;
	v55 =	vld [tilespmem:s24+$0xFFFFFFA0];
	[tilespmem:v59+s17+$0x0] =	vst.idx.msk $0xffff, v58  }
0xd3: {  	v58 =	vadd.s32 v15, v35;
	[tilespmem:v57+s17+$0x0] =	vst.idx.msk $0xffff, v40;
	v57 =	vld [tilespmem:s24+$0xFFFFFFE0]  }
0xd4: {  	[tilespmem:v60+s17+$0x0] =	vst.idx.msk $0xffff, v63;
	v60 =	vadd.s32 v19, v34;
	v59 =	vld [tilespmem:s24+$0x20]  }
0xd5: {  	s25 =	simm.s32 $0x9;
	v38 =	vadd.s32 v32, v38;
	[tilespmem:v62+s17+$0x0] =	vst.idx.msk $0xffff, v61;
	v54 =	vld [tilespmem:s24+$0xF0]  }
0xd6: {  	s31 =	simm.s32 $0x8;
	v41 =	vadd.s32 v23, v37;
	v52 =	vmov s25;
	[tilespmem:v51+s17+$0x0] =	vst.idx.msk $0xffff, v50;
	v40 =	vld [tilespmem:s24+$0x60]  }
0xd7: {  	s29 =	simm.s32 $0xC;
	s28 =	simm.s32 $0xB;
	v43 =	vadd.s32 v27, v36;
	v48 =	vadd.s32 v3, v33;
	v63 =	vmov s31;
	v42 =	vld [tilespmem:s24+$0xA0];
	[tilespmem:v56+s17+$0x0] =	vst.idx.msk $0xffff, v55  }
0xd8: {  	v44 =	vmov s28;
	v46 =	vmov s29;
	v45 =	vld [tilespmem:s24+$0xFFFFFF20];
	s31 =	simm.s32 $0xE;
	v39 =	vshrl.u32 v63, $0x3;
	[tilespmem:v58+s17+$0x0] =	vst.idx.msk $0xffff, v57  }
0xd9: {  	s30 =	simm.s32 $0xD;
	s26 =	simm.s32 $0xA;
	v51 =	vadd.s32 v8, v47;
	v49 =	vld [tilespmem:s24+$0xFFFFFF70];
	v47 =	vshll.u32 v39, v1;
	v39 =	vmov s31;
	[tilespmem:v60+s17+$0x0] =	vst.idx.msk $0xffff, v59  }
0xda: {  	s23 =	sor.u32 $0x1, s22;
	s25 =	simm.s32 $0x10;
	v53 =	vadd.s32 v12, v53;
	v50 =	vld [tilespmem:s24+$0xFFFFFFB0];
	[tilespmem:v38+s17+$0x0] =	vst.idx.msk $0xffff, v54;
	v54 =	vmov s26;
	v38 =	vmov s30;
	s26 =	simm.s32 $0xF  }
.LBB2_7:
0xdb: {  	p0 =	slt.u32 s25, $0x78;
	v52 =	vshrl.u32 v52, $0x3;
	v55 =	vmov s26;
	v56 =	vld [tilespmem:s24+$0xFFFFFFF0];
	v35 =	vadd.s32 v16, v35;
	[tilespmem:v41+s17+$0x0] =	vst.idx.msk $0xffff, v40  }
0xdc: {  	v40 =	vshrl.u32 v54, $0x3;
	v34 =	vadd.s32 v20, v34;
	v41 =	vshrl.u32 v55, $0x3;
	v54 =	vld [tilespmem:s24+$0x30];
	[tilespmem:v43+s17+$0x0] =	vst.idx.msk $0xffff, v42  }
0xdd: {  	v37 =	vadd.s32 v24, v37;
	v42 =	vshrl.u32 v44, $0x3;
	v41 =	vshll.u32 v41, v1;
	[tilespmem:v48+s17+$0x0] =	vst.idx.msk $0xffff, v45;
	v43 =	vld [tilespmem:s24+$0x70]  }
0xde: {  	v36 =	vadd.s32 v28, v36;
	v44 =	vshrl.u32 v46, $0x3;
	v41 =	vbroadcast v41, $0x0;
	[tilespmem:v51+s17+$0x0] =	vst.idx.msk $0xffff, v49;
	v45 =	vld [tilespmem:s24+$0xB0]  }
0xdf: {  	v46 =	vshll.u32 v52, v1;
	v49 =	vadd.s32 v4, v33;
	v33 =	vbroadcast v47, $0x0;
	v48 =	vld [tilespmem:s24+$0xFFFFFF30];
	[tilespmem:v53+s17+$0x0] =	vst.idx.msk $0xffff, v50;
	s24 =	sadd.s32 $0x200, s24  }
0xe0: {  	v40 =	vshll.u32 v40, v1;
	v47 =	vbroadcast v46, $0x0;
	v46 =	vld [tilespmem:s24+$0xC0];
	v50 =	vadd.s32 v29, v41;
	[tilespmem:v35+s17+$0x0] =	vst.idx.msk $0xffff, v56  }
0xe1: {  	v53 =	vbroadcast v40, $0x0;
	v52 =	vadd.s32 v0, v33;
	v35 =	vshll.u32 v42, v1;
	v51 =	vld [tilespmem:s24+$0xFFFFFF00];
	[tilespmem:v34+s17+$0x0] =	vst.idx.msk $0xffff, v54  }
0xe2: {  	v42 =	vadd.s32 v5, v47;
	v35 =	vbroadcast v35, $0x0;
	v34 =	vshll.u32 v44, v1;
	v40 =	vld [tilespmem:s24+$0xFFFFFF40];
	[tilespmem:v37+s17+$0x0] =	vst.idx.msk $0xffff, v43  }
0xe3: {  	v44 =	vadd.s32 v9, v53;
	v34 =	vbroadcast v34, $0x0;
	v37 =	vshrl.u32 v38, $0x3;
	v43 =	vld [tilespmem:s24+$0xFFFFFF80];
	[tilespmem:v36+s17+$0x0] =	vst.idx.msk $0xffff, v45  }
0xe4: {  	v39 =	vshrl.u32 v39, $0x3;
	v45 =	vadd.s32 v13, v35;
	v36 =	vshll.u32 v37, v1;
	v38 =	vld [tilespmem:s24+$0xFFFFFFC0];
	[tilespmem:v49+s17+$0x0] =	vst.idx.msk $0xffff, v48  }
0xe5: {  	v49 =	vadd.s32 v17, v34;
	v37 =	vbroadcast v36, $0x0;
	v36 =	vshll.u32 v39, v1;
	v48 =	vld [tilespmem:s24+$0x0];
	[tilespmem:v50+s17+$0x0] =	vst.idx.msk $0xffff, v46  }
0xe6: {  	v36 =	vbroadcast v36, $0x0;
	v46 =	vadd.s32 v30, v41;
	[tilespmem:v52+s17+$0x0] =	vst.idx.msk $0xffff, v51;
	v39 =	vld [tilespmem:s24+$0xD0]  }
0xe7: {  	[tilespmem:v42+s17+$0x0] =	vst.idx.msk $0xffff, v40;
	v40 =	vld [tilespmem:s24+$0x40];
	v42 =	vadd.s32 v21, v37  }
0xe8: {  	[tilespmem:v44+s17+$0x0] =	vst.idx.msk $0xffff, v43;
	v43 =	vld [tilespmem:s24+$0x80];
	v44 =	vadd.s32 v25, v36  }
0xe9: {  	v51 =	vadd.s32 v6, v47;
	v50 =	vld [tilespmem:s24+$0xFFFFFF50];
	[tilespmem:v45+s17+$0x0] =	vst.idx.msk $0xffff, v38  }
0xea: {  	v45 =	vadd.s32 v10, v53;
	v38 =	vld [tilespmem:s24+$0xFFFFFF90];
	[tilespmem:v49+s17+$0x0] =	vst.idx.msk $0xffff, v48  }
0xeb: {  	v49 =	vadd.s32 v14, v35;
	v48 =	vld [tilespmem:s24+$0xFFFFFFD0];
	[tilespmem:v46+s17+$0x0] =	vst.idx.msk $0xffff, v39  }
0xec: {  	[tilespmem:v42+s17+$0x0] =	vst.idx.msk $0xffff, v40;
	v39 =	vld [tilespmem:s24+$0xE0];
	v40 =	vadd.s32 v31, v41  }
0xed: {  	v46 =	vadd.s32 v18, v34;
	v42 =	vld [tilespmem:s24+$0x10];
	[tilespmem:v44+s17+$0x0] =	vst.idx.msk $0xffff, v43  }
0xee: {  	v44 =	vadd.s32 v22, v37;
	[tilespmem:v51+s17+$0x0] =	vst.idx.msk $0xffff, v50;
	v43 =	vld [tilespmem:s24+$0x50]  }
0xef: {  	[tilespmem:v45+s17+$0x0] =	vst.idx.msk $0xffff, v38;
	v38 =	vld [tilespmem:s24+$0x90];
	v45 =	vadd.s32 v26, v36  }
0xf0: {  	v51 =	vadd.s32 v2, v33;
	v50 =	vld [tilespmem:s24+$0xFFFFFF10];
	[tilespmem:v49+s17+$0x0] =	vst.idx.msk $0xffff, v48  }
0xf1: {  	v49 =	vadd.s32 v7, v47;
	v48 =	vld [tilespmem:s24+$0xFFFFFF60];
	[tilespmem:v40+s17+$0x0] =	vst.idx.msk $0xffff, v39  }
0xf2: {  	[tilespmem:v46+s17+$0x0] =	vst.idx.msk $0xffff, v42;
	v39 =	vld [tilespmem:s24+$0xF0];
	v46 =	vadd.s32 v32, v41  }
0xf3: {  	v56 =	vadd.s32 v11, v53;
	v55 =	vld [tilespmem:s24+$0xFFFFFFA0];
	[tilespmem:v44+s17+$0x0] =	vst.idx.msk $0xffff, v43  }
0xf4: {  	v58 =	vadd.s32 v15, v35;
	v57 =	vld [tilespmem:s24+$0xFFFFFFE0];
	[tilespmem:v45+s17+$0x0] =	vst.idx.msk $0xffff, v38  }
0xf5: {  	v60 =	vadd.s32 v19, v34;
	[tilespmem:v51+s17+$0x0] =	vst.idx.msk $0xffff, v50;
	v59 =	vld [tilespmem:s24+$0x20]  }
.Ltmp2:
0xf6: {  	s26 =	sadd.s32 $0x1, s25;
	v41 =	vadd.s32 v23, v37;
	v38 =	vmov s25;
	[tilespmem:v49+s17+$0x0] =	vst.idx.msk $0xffff, v48;
	v40 =	vld [tilespmem:s24+$0x60];
	(pc) =	sbr.rel @p0 .LBB2_7-.Ltmp2, $4  }
0xf7: {  	s28 =	sadd.s32 $0x3, s25;
	v52 =	vmov s26;
	s26 =	sadd.s32 $0x2, s25;
	v43 =	vadd.s32 v27, v36;
	v50 =	vshrl.u32 v38, $0x3;
	v42 =	vld [tilespmem:s24+$0xA0];
	[tilespmem:v46+s17+$0x0] =	vst.idx.msk $0xffff, v39  }
0xf8: {  	v54 =	vmov s26;
	s26 =	sadd.s32 $0x4, s25;
	v44 =	vmov s28;
	s28 =	sadd.s32 $0x5, s25;
	v48 =	vadd.s32 v3, v33;
	v45 =	vld [tilespmem:s24+$0xFFFFFF20];
	[tilespmem:v56+s17+$0x0] =	vst.idx.msk $0xffff, v55  }
0xf9: {  	v38 =	vmov s28;
	v51 =	vadd.s32 v8, v47;
	v46 =	vmov s26;
	s26 =	sadd.s32 $0x6, s25;
	v49 =	vld [tilespmem:s24+$0xFFFFFF70];
	[tilespmem:v58+s17+$0x0] =	vst.idx.msk $0xffff, v57  }
0xfa: {  	v53 =	vadd.s32 v12, v53;
	v47 =	vshll.u32 v50, v1;
	v39 =	vmov s26;
	s26 =	sadd.s32 $0x7, s25;
	s25 =	sadd.s32 $0x8, s25;
	v50 =	vld [tilespmem:s24+$0xFFFFFFB0];
	[tilespmem:v60+s17+$0x0] =	vst.idx.msk $0xffff, v59  }
0xfb: {  	_ =	sdelay $0x2  }
0xfc: {  	v52 =	vshrl.u32 v52, $0x3  }
0xfd: {  	v55 =	vmov s26;
	v56 =	vld [tilespmem:s24+$0xFFFFFFF0];
	v35 =	vadd.s32 v16, v35;
	[tilespmem:v41+s17+$0x0] =	vst.idx.msk $0xffff, v40;
	v57 =	vshrl.u32 v54, $0x3  }
0xfe: {  	v59 =	vld [tilespmem:s24+$0x30];
	v34 =	vadd.s32 v20, v34;
	v60 =	vshrl.u32 v44, $0x3;
	v58 =	vshrl.u32 v55, $0x3;
	[tilespmem:v43+s17+$0x0] =	vst.idx.msk $0xffff, v42  }
0xff: {  	v37 =	vadd.s32 v24, v37;
	v62 =	vshrl.u32 v46, $0x3;
	v61 =	vld [tilespmem:s24+$0x70];
	v41 =	vshll.u32 v58, v1;
	[tilespmem:v48+s17+$0x0] =	vst.idx.msk $0xffff, v45  }
0x100: {  	v36 =	vadd.s32 v28, v36;
	v46 =	vbroadcast v47, $0x0;
	v63 =	vld [tilespmem:s24+$0xB0];
	v41 =	vbroadcast v41, $0x0;
	[tilespmem:v51+s17+$0x0] =	vst.idx.msk $0xffff, v49  }
0x101: {  	v33 =	vadd.s32 v4, v33;
	s31 =	sadd.s32 $0x200, s24;
	v38 =	vshrl.u32 v38, $0x3;
	v55 =	vshll.u32 v52, v1;
	v48 =	vld [tilespmem:s24+$0xFFFFFF30];
	[tilespmem:v53+s17+$0x0] =	vst.idx.msk $0xffff, v50  }
0x102: {  	v40 =	vshll.u32 v57, v1;
	v47 =	vbroadcast v55, $0x0;
	v49 =	vld [tilespmem:s31+$0xC0];
	v50 =	vadd.s32 v29, v41;
	[tilespmem:v35+s17+$0x0] =	vst.idx.msk $0xffff, v56  }
0x103: {  	v42 =	vshll.u32 v60, v1;
	v40 =	vbroadcast v40, $0x0;
	v35 =	vld [tilespmem:s31+$0xFFFFFF00];
	v56 =	vadd.s32 v0, v46;
	[tilespmem:v34+s17+$0x0] =	vst.idx.msk $0xffff, v59  }
0x104: {  	v57 =	vld [tilespmem:s31+$0xFFFFFF40];
	v44 =	vshll.u32 v62, v1;
	v42 =	vbroadcast v42, $0x0;
	v58 =	vadd.s32 v5, v47;
	[tilespmem:v37+s17+$0x0] =	vst.idx.msk $0xffff, v61  }
0x105: {  	v38 =	vshll.u32 v38, v1;
	v44 =	vbroadcast v44, $0x0;
	v60 =	vadd.s32 v9, v40;
	v59 =	vld [tilespmem:s31+$0xFFFFFF80];
	[tilespmem:v36+s17+$0x0] =	vst.idx.msk $0xffff, v63  }
0x106: {  	v38 =	vbroadcast v38, $0x0;
	v62 =	vadd.s32 v13, v42;
	v61 =	vld [tilespmem:s31+$0xFFFFFFC0];
	[tilespmem:v33+s17+$0x0] =	vst.idx.msk $0xffff, v48  }
0x107: {  	v39 =	vshrl.u32 v39, $0x3;
	v63 =	vadd.s32 v17, v44;
	v33 =	vld [tilespmem:s31+$0x0];
	[tilespmem:v50+s17+$0x0] =	vst.idx.msk $0xffff, v49  }
0x108: {  	v39 =	vshll.u32 v39, v1;
	v34 =	vld [tilespmem:s31+$0x40];
	[tilespmem:v56+s17+$0x0] =	vst.idx.msk $0xffff, v35;
	v56 =	vadd.s32 v21, v38  }
0x109: {  	[tilespmem:v58+s17+$0x0] =	vst.idx.msk $0xffff, v57;
	v35 =	vbroadcast v39, $0x0;
	v49 =	vadd.s32 v30, v41;
	v39 =	vld [tilespmem:s31+$0xD0]  }
0x10a: {  	[tilespmem:v60+s17+$0x0] =	vst.idx.msk $0xffff, v59;
	v59 =	vld [tilespmem:s31+$0xFFFFFF50];
	v60 =	vadd.s32 v6, v47  }
0x10b: {  	v57 =	vld [tilespmem:s31+$0x80];
	[tilespmem:v62+s17+$0x0] =	vst.idx.msk $0xffff, v61;
	v58 =	vadd.s32 v25, v35  }
0x10c: {  	v61 =	vld [tilespmem:s31+$0xFFFFFF90];
	v62 =	vadd.s32 v10, v40;
	[tilespmem:v63+s17+$0x0] =	vst.idx.msk $0xffff, v33  }
0x10d: {  	v33 =	vld [tilespmem:s31+$0xFFFFFFD0];
	v63 =	vadd.s32 v14, v42;
	[tilespmem:v56+s17+$0x0] =	vst.idx.msk $0xffff, v34  }
0x10e: {  	v56 =	vadd.s32 v18, v44;
	[tilespmem:v49+s17+$0x0] =	vst.idx.msk $0xffff, v39;
	v49 =	vld [tilespmem:s31+$0x10]  }
0x10f: {  	[tilespmem:v60+s17+$0x0] =	vst.idx.msk $0xffff, v59;
	v39 =	vadd.s32 v31, v41;
	v34 =	vld [tilespmem:s31+$0xE0]  }
0x110: {  	[tilespmem:v58+s17+$0x0] =	vst.idx.msk $0xffff, v57;
	v57 =	vld [tilespmem:s31+$0x50];
	v58 =	vadd.s32 v22, v38  }
0x111: {  	[tilespmem:v62+s17+$0x0] =	vst.idx.msk $0xffff, v61;
	v61 =	vld [tilespmem:s31+$0xFFFFFF10];
	v62 =	vadd.s32 v2, v46  }
0x112: {  	v60 =	vadd.s32 v26, v35;
	v59 =	vld [tilespmem:s31+$0x90];
	[tilespmem:v63+s17+$0x0] =	vst.idx.msk $0xffff, v33  }
0x113: {  	v55 =	vadd.s32 v11, v40;
	v54 =	vadd.s32 v32, v41;
	v41 =	vld [tilespmem:s31+$0xFFFFFFA0];
	[tilespmem:v56+s17+$0x0] =	vst.idx.msk $0xffff, v49  }
0x114: {  	v53 =	vadd.s32 v7, v47;
	v63 =	vld [tilespmem:s31+$0xFFFFFF60];
	[tilespmem:v39+s17+$0x0] =	vst.idx.msk $0xffff, v34  }
0x115: {  	v56 =	vld [tilespmem:s31+$0xFFFFFFE0];
	[tilespmem:v58+s17+$0x0] =	vst.idx.msk $0xffff, v57;
	v57 =	vadd.s32 v15, v42  }
0x116: {  	[tilespmem:v62+s17+$0x0] =	vst.idx.msk $0xffff, v61;
	v34 =	vld [tilespmem:s31+$0xF0]  }
0x117: {  	v58 =	vld [tilespmem:s31+$0x20];
	[tilespmem:v60+s17+$0x0] =	vst.idx.msk $0xffff, v59;
	v59 =	vadd.s32 v19, v44  }
0x118: {  	v61 =	vadd.s32 v23, v38;
	[tilespmem:v55+s17+$0x0] =	vst.idx.msk $0xffff, v41;
	v60 =	vld [tilespmem:s31+$0x60]  }
0x119: {  	[tilespmem:v53+s17+$0x0] =	vst.idx.msk $0xffff, v63;
	v63 =	vadd.s32 v27, v35;
	v62 =	vld [tilespmem:s31+$0xA0]  }
0x11a: {  	v47 =	vadd.s32 v8, v47;
	v55 =	vld [tilespmem:s31+$0xFFFFFF70];
	[tilespmem:v57+s17+$0x0] =	vst.idx.msk $0xffff, v56  }
0x11b: {  	v53 =	vld [tilespmem:s31+$0xFFFFFF20];
	[tilespmem:v54+s17+$0x0] =	vst.idx.msk $0xffff, v34;
	v54 =	vadd.s32 v3, v46  }
0x11c: {  	v40 =	vadd.s32 v12, v40;
	v56 =	vld [tilespmem:s31+$0xFFFFFFB0];
	[tilespmem:v59+s17+$0x0] =	vst.idx.msk $0xffff, v58  }
0x11d: {  	v42 =	vadd.s32 v16, v42;
	v57 =	vld [tilespmem:s31+$0xFFFFFFF0];
	[tilespmem:v61+s17+$0x0] =	vst.idx.msk $0xffff, v60  }
0x11e: {  	v59 =	vadd.s32 v20, v44;
	v58 =	vld [tilespmem:s31+$0x30];
	[tilespmem:v63+s17+$0x0] =	vst.idx.msk $0xffff, v62  }
0x11f: {  	v38 =	vadd.s32 v24, v38;
	v60 =	vld [tilespmem:s31+$0x70];
	[tilespmem:v47+s17+$0x0] =	vst.idx.msk $0xffff, v55  }
0x120: {  	v35 =	vadd.s32 v28, v35;
	v61 =	vld [tilespmem:s31+$0xB0];
	[tilespmem:v54+s17+$0x0] =	vst.idx.msk $0xffff, v53  }
0x121: {  	v63 =	vadd.s32 v4, v46;
	[tilespmem:v40+s17+$0x0] =	vst.idx.msk $0xffff, v56;
	v62 =	vld [tilespmem:s31+$0xFFFFFF30]  }
0x122: {  	s23 =	sadd.s32 s6, s23;
	[tilespmem:v42+s17+$0x0] =	vst.idx.msk $0xffff, v57  }
0x123: {  	s25 =	sshll.u32 s23, $0x7;
	[tilespmem:v59+s17+$0x0] =	vst.idx.msk $0xffff, v58  }
0x124: {  	s23 =	sshll.u32 s23, $0xA;
	s24 =	sand.u32 $0x3E80, s25;
	[tilespmem:v38+s17+$0x0] =	vst.idx.msk $0xffff, v60  }
0x125: {  	s23 =	sand.u32 $0xFFE0000, s23;
	s24 =	sadd.s32 s1, s24;
	[tilespmem:v35+s17+$0x0] =	vst.idx.msk $0xffff, v61  }
0x126: {  	s26 =	simm.s32 $0x10600;
	s24 =	sadd.s32 s23, s24;
	[tilespmem:v63+s17+$0x0] =	vst.idx.msk $0xffff, v62  }
0x127: {  	[hbm4b:s24+s3] =	stream.linear.scatter [tilespmem:s26], [sflag:$0x2], $0x80, $0x38;
	[tilespmem:$0x12800] =	vst v63  }
0x128: {  	s29 =	simm.s32 $0x10688;
	s25 =	sadd.s32 $0x10, s24  }
0x129: {  	[hbm4b:s25+s3] =	stream.linear.scatter [tilespmem:s29], [sflag:$0x2], $0x80, $0x38;
	[tilespmem:$0x12800] =	vst v63  }
0x12a: {  	s30 =	simm.s32 $0x10710;
	s23 =	simm.s32 $0x440;
	s31 =	sadd.s32 $0x20, s24  }
0x12b: {  	[hbm4b:s31+s3] =	stream.linear.scatter [tilespmem:s30], [sflag:$0x2], $0x80, $0x38;
	[tilespmem:$0x12800] =	vst v63  }
0x12c: {  	s28 =	sadd.s32 $0x70, s24;
	s26 =	simm.s32 $0x10798;
	s29 =	sadd.s32 $0x30, s24  }
0x12d: {  	[hbm4b:s29+s3] =	stream.linear.scatter [tilespmem:s26], [sflag:$0x2], $0x80, $0x38;
	[tilespmem:$0x12800] =	vst v63  }
0x12e: {  	s25 =	simm.s32 $0x2200;
	s30 =	simm.s32 $0x10820;
	s31 =	sadd.s32 $0x40, s24  }
0x12f: {  	[hbm4b:s31+s3] =	stream.linear.scatter [tilespmem:s30], [sflag:$0x2], $0x80, $0x38;
	[tilespmem:$0x12800] =	vst v63  }
0x130: {  	s26 =	simm.s32 $0x108A8;
	s29 =	sadd.s32 $0x50, s24;
	s30 =	simm.s32 $0x10930  }
0x131: {  	[hbm4b:s29+s3] =	stream.linear.scatter [tilespmem:s26], [sflag:$0x2], $0x80, $0x38;
	[tilespmem:$0x12800] =	vst v63  }
0x132: {  	s31 =	sadd.s32 $0x60, s24;
	s24 =	sadd.s32 $0x4000, s24;
	s26 =	simm.s32 $0x109B8  }
0x133: {  	[hbm4b:s31+s3] =	stream.linear.scatter [tilespmem:s30], [sflag:$0x2], $0x80, $0x38;
	[tilespmem:$0x12800] =	vst v63  }
.LBB2_9:
0x134: {  	[hbm4b:s28+s3] =	stream.linear.scatter [tilespmem:s26], [sflag:$0x2], $0x80, $0x38;
	[tilespmem:$0x12800] =	vst v63  }
0x135: {  	s26 =	smov.u32 s23;
	s23 =	smov.u32 s25  }
0x136: {  	s29 =	sadd.s32 $0x1100, s25;
	s23 =	sshra.s32 s23, $0x2;
	s28 =	sadd.s32 $0x10600, s26  }
0x137: {  	[hbm4b:s24+s3] =	stream.linear.scatter [tilespmem:s28], [sflag:$0x2], $0x80, $0x38;
	[tilespmem:$0x12800] =	vst v63  }
0x138: {  	p0 =	sne.s32 s25, $0x7700;
	s25 =	sadd.s32 $0x10688, s26;
	s28 =	sadd.s32 $0x10, s24  }
0x139: {  	[hbm4b:s28+s3] =	stream.linear.scatter [tilespmem:s25], [sflag:$0x2], $0x80, $0x38;
	[tilespmem:$0x12800] =	vst v63  }
0x13a: {  	s25 =	sadd.s32 $0x10710, s26;
	s28 =	sadd.s32 $0x20, s24  }
0x13b: {  	[hbm4b:s28+s3] =	stream.linear.scatter [tilespmem:s25], [sflag:$0x2], $0x80, $0x38;
	[tilespmem:$0x12800] =	vst v63  }
0x13c: {  	s25 =	sadd.s32 $0x10798, s26;
	s28 =	sadd.s32 $0x30, s24  }
0x13d: {  	[hbm4b:s28+s3] =	stream.linear.scatter [tilespmem:s25], [sflag:$0x2], $0x80, $0x38;
	[tilespmem:$0x12800] =	vst v63  }
0x13e: {  	s25 =	sadd.s32 $0x10820, s26;
	s28 =	sadd.s32 $0x40, s24  }
0x13f: {  	[hbm4b:s28+s3] =	stream.linear.scatter [tilespmem:s25], [sflag:$0x2], $0x80, $0x38;
	[tilespmem:$0x12800] =	vst v63  }
.Ltmp3:
0x140: {  	s25 =	sadd.s32 $0x108A8, s26;
	s28 =	sadd.s32 $0x50, s24;
	(pc) =	sbr.rel @p0 .LBB2_9-.Ltmp3, $4  }
0x141: {  	[hbm4b:s28+s3] =	stream.linear.scatter [tilespmem:s25], [sflag:$0x2], $0x80, $0x38;
	[tilespmem:$0x12800] =	vst v63  }
0x142: {  	s25 =	sadd.s32 $0x10930, s26;
	s28 =	sadd.s32 $0x60, s24;
	s26 =	sadd.s32 $0x109B8, s26  }
0x143: {  	[hbm4b:s28+s3] =	stream.linear.scatter [tilespmem:s25], [sflag:$0x2], $0x80, $0x38;
	[tilespmem:$0x12800] =	vst v63  }
0x144: {  	s28 =	sadd.s32 $0x70, s24;
	s24 =	sadd.s32 $0x4000, s24;
	s25 =	smov.u32 s29  }
0x145: {  	[hbm4b:s28+s3] =	stream.linear.scatter [tilespmem:s26], [sflag:$0x2], $0x80, $0x38;
	[tilespmem:$0x12800] =	vst v63  }
0x146: {  	s25 =	sadd.s32 $0x10600, s23  }
0x147: {  	[hbm4b:s24+s3] =	stream.linear.scatter [tilespmem:s25], [sflag:$0x2], $0x80, $0x38;
	[tilespmem:$0x12800] =	vst v63  }
0x148: {  	s30 =	sadd.s32 $0x10688, s23;
	s31 =	sadd.s32 $0x10, s24  }
0x149: {  	[hbm4b:s31+s3] =	stream.linear.scatter [tilespmem:s30], [sflag:$0x2], $0x80, $0x38;
	[tilespmem:$0x12800] =	vst v63  }
0x14a: {  	s28 =	sadd.s32 $0x10710, s23;
	s29 =	sadd.s32 $0x20, s24  }
0x14b: {  	[hbm4b:s29+s3] =	stream.linear.scatter [tilespmem:s28], [sflag:$0x2], $0x80, $0x38;
	[tilespmem:$0x12800] =	vst v63  }
0x14c: {  	s30 =	sadd.s32 $0x10798, s23;
	s31 =	sadd.s32 $0x30, s24  }
0x14d: {  	[hbm4b:s31+s3] =	stream.linear.scatter [tilespmem:s30], [sflag:$0x2], $0x80, $0x38;
	[tilespmem:$0x12800] =	vst v63  }
0x14e: {  	s28 =	sadd.s32 $0x10820, s23;
	s29 =	sadd.s32 $0x40, s24  }
0x14f: {  	[hbm4b:s29+s3] =	stream.linear.scatter [tilespmem:s28], [sflag:$0x2], $0x80, $0x38;
	[tilespmem:$0x12800] =	vst v63  }
0x150: {  	s30 =	sadd.s32 $0x108A8, s23;
	s31 =	sadd.s32 $0x50, s24  }
0x151: {  	[hbm4b:s31+s3] =	stream.linear.scatter [tilespmem:s30], [sflag:$0x2], $0x80, $0x38;
	[tilespmem:$0x12800] =	vst v63  }
0x152: {  	s26 =	simm.s32 $0x2;
	s28 =	sadd.s32 $0x10930, s23;
	s29 =	sadd.s32 $0x60, s24  }
0x153: {  	[hbm4b:s29+s3] =	stream.linear.scatter [tilespmem:s28], [sflag:$0x2], $0x80, $0x38;
	[tilespmem:$0x12800] =	vst v63  }
0x154: {  	s25 =	simm.s32 $0x1;
	s30 =	sadd.s32 $0x109B8, s23;
	s31 =	sadd.s32 $0x70, s24  }
0x155: {  	v35 =	vmov s26;
	[hbm4b:s31+s3] =	stream.linear.scatter [tilespmem:s30], [sflag:$0x2], $0x80, $0x38;
	[tilespmem:$0x12800] =	vst v63  }
0x156: {  	p0 =	seq.s32 s20, $0x31;
	v35 =	vshrl.u32 v35, $0x3;
	v34 =	vmov s25;
	_ =	swait.ge [sflag:s14], $0x2000  }
0x157: {  	s26 =	sshll.u32 @!p0 s20, $0x9;
	s25 =	simm.s32 @!p0 $0x80;
	v51 =	vshll.u32 v35, v1;
	v34 =	vshrl.u32 v34, $0x3;
	[sflag:s14] =	ssyncset.done $0x0  }
0x158: {  	v53 =	vbroadcast v51, $0x0;
	v34 =	vshll.u32 v34, v1;
	s24 =	simm.s32 $0x0;
	s30 =	simm.s32 $0x7;
	[sflag:s14] =	ssyncadd.s32 $0xFFFFE000  }
0x159: {  	v47 =	vbroadcast v34, $0x0;
	s23 =	sand.u32 @!p0 $0x3FFFFE00, s26;
	s26 =	simm.s32 @!p0 $0x8400;
	v38 =	vmov s30;
	_ =	swait.ge [sflag:s18], $0x2000  }
0x15a: {  	v49 =	vadd.s32 v9, v53;
	v33 =	vmov s24;
	s24 =	sadd.s32 @!p0 $0x280, s23;
	s29 =	simm.s32 $0x4;
	v38 =	vshrl.u32 v38, $0x3;
	[sflag:s18] =	ssyncset.done $0x0  }
0x15b: {  	v33 =	vshrl.u32 v33, $0x3;
	s28 =	simm.s32 $0x3;
	v37 =	vmov s29;
	s29 =	simm.s32 $0x6;
	v38 =	vshll.u32 v38, v1;
	[sflag:s18] =	ssyncadd.s32 $0xFFFFE000  }
0x15c: {  	v46 =	vadd.s32 v5, v47;
	v33 =	vshll.u32 v33, v1;
	v38 =	vbroadcast v38, $0x0;
	[tilespmem:s26], [sflag:$0x1] =	stream.indirect.gather @!p0 [hbm4b:s4+s25], $0x40, s24, s25, $0xb8;
	[tilespmem:$0x12800] =	vst v63  }
0x15d: {  	v36 =	vmov s28;
	v40 =	vmov s29;
	v33 =	vbroadcast v33, $0x0;
	s24 =	simm.s32 $0xA500  }
0x15e: {  	s31 =	simm.s32 $0x5;
	v36 =	vshrl.u32 v36, $0x3;
	v37 =	vshrl.u32 v37, $0x3;
	v42 =	vadd.s32 v29, v38;
	v41 =	vld [tilespmem:s24+$0xC0]  }
0x15f: {  	v39 =	vmov s31;
	v52 =	vshll.u32 v36, v1;
	v44 =	vadd.s32 v0, v33;
	v43 =	vld [tilespmem:s24+$0xFFFFFF00]  }
0x160: {  	v54 =	vshll.u32 v37, v1;
	v35 =	vbroadcast v52, $0x0;
	v55 =	vshrl.u32 v39, $0x3;
	v45 =	vld [tilespmem:s24+$0xFFFFFF40]  }
0x161: {  	v40 =	vshrl.u32 v40, $0x3;
	v34 =	vbroadcast v54, $0x0;
	v36 =	vshll.u32 v55, v1;
	v48 =	vld [tilespmem:s24+$0xFFFFFF80]  }
0x162: {  	v56 =	vshll.u32 v40, v1;
	v50 =	vadd.s32 v13, v35;
	v37 =	vbroadcast v36, $0x0;
	v39 =	vld [tilespmem:s24+$0xFFFFFFC0]  }
0x163: {  	v52 =	vadd.s32 v17, v34;
	v36 =	vbroadcast v56, $0x0;
	v51 =	vld [tilespmem:s24+$0x0];
	[tilespmem:v42+s16+$0x0] =	vst.idx.msk $0xffff, v41  }
0x164: {  	v60 =	vadd.s32 v21, v37;
	v59 =	vld [tilespmem:s24+$0x40];
	[tilespmem:v44+s16+$0x0] =	vst.idx.msk $0xffff, v43  }
0x165: {  	v62 =	vadd.s32 v25, v36;
	v61 =	vld [tilespmem:s24+$0x80];
	[tilespmem:v46+s16+$0x0] =	vst.idx.msk $0xffff, v45  }
0x166: {  	v58 =	vadd.s32 v30, v38;
	[tilespmem:v49+s16+$0x0] =	vst.idx.msk $0xffff, v48;
	v57 =	vld [tilespmem:s24+$0xD0]  }
0x167: {  	v63 =	vadd.s32 v6, v47;
	[tilespmem:v50+s16+$0x0] =	vst.idx.msk $0xffff, v39;
	v46 =	vld [tilespmem:s24+$0xFFFFFF50]  }
0x168: {  	v55 =	vadd.s32 v10, v53;
	[tilespmem:v52+s16+$0x0] =	vst.idx.msk $0xffff, v51;
	v54 =	vld [tilespmem:s24+$0xFFFFFF90]  }
0x169: {  	v56 =	vadd.s32 v14, v35;
	[tilespmem:v60+s16+$0x0] =	vst.idx.msk $0xffff, v59;
	v50 =	vld [tilespmem:s24+$0xFFFFFFD0]  }
0x16a: {  	[tilespmem:v62+s16+$0x0] =	vst.idx.msk $0xffff, v61;
	v45 =	vadd.s32 v22, v37;
	v44 =	vld [tilespmem:s24+$0x50]  }
0x16b: {  	v59 =	vadd.s32 v18, v34;
	[tilespmem:v58+s16+$0x0] =	vst.idx.msk $0xffff, v57;
	v58 =	vld [tilespmem:s24+$0x10]  }
0x16c: {  	v57 =	vadd.s32 v31, v38;
	[tilespmem:v63+s16+$0x0] =	vst.idx.msk $0xffff, v46;
	v40 =	vld [tilespmem:s24+$0xE0]  }
0x16d: {  	v60 =	vadd.s32 v26, v36;
	[tilespmem:v55+s16+$0x0] =	vst.idx.msk $0xffff, v54;
	v63 =	vld [tilespmem:s24+$0x90]  }
0x16e: {  	v62 =	vadd.s32 v2, v33;
	v61 =	vld [tilespmem:s24+$0xFFFFFF10];
	[tilespmem:v56+s16+$0x0] =	vst.idx.msk $0xffff, v50  }
0x16f: {  	v51 =	vadd.s32 v7, v47;
	[tilespmem:v45+s16+$0x0] =	vst.idx.msk $0xffff, v44;
	v50 =	vld [tilespmem:s24+$0xFFFFFF60]  }
0x170: {  	v56 =	vadd.s32 v11, v53;
	v55 =	vld [tilespmem:s24+$0xFFFFFFA0];
	[tilespmem:v59+s16+$0x0] =	vst.idx.msk $0xffff, v58  }
0x171: {  	v58 =	vadd.s32 v15, v35;
	[tilespmem:v57+s16+$0x0] =	vst.idx.msk $0xffff, v40;
	v57 =	vld [tilespmem:s24+$0xFFFFFFE0]  }
0x172: {  	[tilespmem:v60+s16+$0x0] =	vst.idx.msk $0xffff, v63;
	v60 =	vadd.s32 v19, v34;
	v59 =	vld [tilespmem:s24+$0x20]  }
0x173: {  	s31 =	simm.s32 $0x9;
	v38 =	vadd.s32 v32, v38;
	[tilespmem:v62+s16+$0x0] =	vst.idx.msk $0xffff, v61;
	v54 =	vld [tilespmem:s24+$0xF0]  }
0x174: {  	s30 =	simm.s32 $0x8;
	v41 =	vadd.s32 v23, v37;
	v52 =	vmov s31;
	[tilespmem:v51+s16+$0x0] =	vst.idx.msk $0xffff, v50;
	v40 =	vld [tilespmem:s24+$0x60]  }
0x175: {  	s28 =	simm.s32 $0xB;
	s29 =	simm.s32 $0xC;
	v43 =	vadd.s32 v27, v36;
	v48 =	vadd.s32 v3, v33;
	v63 =	vmov s30;
	v42 =	vld [tilespmem:s24+$0xA0];
	[tilespmem:v56+s16+$0x0] =	vst.idx.msk $0xffff, v55  }
0x176: {  	s31 =	simm.s32 $0xE;
	v44 =	vmov s28;
	v46 =	vmov s29;
	v45 =	vld [tilespmem:s24+$0xFFFFFF20];
	v39 =	vshrl.u32 v63, $0x3;
	[tilespmem:v58+s16+$0x0] =	vst.idx.msk $0xffff, v57  }
0x177: {  	s26 =	simm.s32 $0xA;
	s30 =	simm.s32 $0xD;
	v51 =	vadd.s32 v8, v47;
	v49 =	vld [tilespmem:s24+$0xFFFFFF70];
	v47 =	vshll.u32 v39, v1;
	v39 =	vmov s31;
	[tilespmem:v60+s16+$0x0] =	vst.idx.msk $0xffff, v59  }
0x178: {  	s22 =	sor.u32 $0x2, s22;
	s25 =	simm.s32 $0x10;
	v53 =	vadd.s32 v12, v53;
	v50 =	vld [tilespmem:s24+$0xFFFFFFB0];
	[tilespmem:v38+s16+$0x0] =	vst.idx.msk $0xffff, v54;
	v54 =	vmov s26;
	v38 =	vmov s30;
	s26 =	simm.s32 $0xF  }
.LBB2_11:
0x179: {  	p1 =	slt.u32 s25, $0x78;
	v52 =	vshrl.u32 v52, $0x3;
	v55 =	vmov s26;
	v56 =	vld [tilespmem:s24+$0xFFFFFFF0];
	v35 =	vadd.s32 v16, v35;
	[tilespmem:v41+s16+$0x0] =	vst.idx.msk $0xffff, v40  }
0x17a: {  	v40 =	vshrl.u32 v54, $0x3;
	v34 =	vadd.s32 v20, v34;
	v41 =	vshrl.u32 v55, $0x3;
	v54 =	vld [tilespmem:s24+$0x30];
	[tilespmem:v43+s16+$0x0] =	vst.idx.msk $0xffff, v42  }
0x17b: {  	v37 =	vadd.s32 v24, v37;
	v42 =	vshrl.u32 v44, $0x3;
	v41 =	vshll.u32 v41, v1;
	[tilespmem:v48+s16+$0x0] =	vst.idx.msk $0xffff, v45;
	v43 =	vld [tilespmem:s24+$0x70]  }
0x17c: {  	v36 =	vadd.s32 v28, v36;
	v44 =	vshrl.u32 v46, $0x3;
	v41 =	vbroadcast v41, $0x0;
	[tilespmem:v51+s16+$0x0] =	vst.idx.msk $0xffff, v49;
	v45 =	vld [tilespmem:s24+$0xB0]  }
0x17d: {  	v46 =	vshll.u32 v52, v1;
	v49 =	vadd.s32 v4, v33;
	v33 =	vbroadcast v47, $0x0;
	v48 =	vld [tilespmem:s24+$0xFFFFFF30];
	[tilespmem:v53+s16+$0x0] =	vst.idx.msk $0xffff, v50;
	s24 =	sadd.s32 $0x200, s24  }
0x17e: {  	v40 =	vshll.u32 v40, v1;
	v47 =	vbroadcast v46, $0x0;
	v46 =	vld [tilespmem:s24+$0xC0];
	v50 =	vadd.s32 v29, v41;
	[tilespmem:v35+s16+$0x0] =	vst.idx.msk $0xffff, v56  }
0x17f: {  	v53 =	vbroadcast v40, $0x0;
	v52 =	vadd.s32 v0, v33;
	v35 =	vshll.u32 v42, v1;
	v51 =	vld [tilespmem:s24+$0xFFFFFF00];
	[tilespmem:v34+s16+$0x0] =	vst.idx.msk $0xffff, v54  }
0x180: {  	v42 =	vadd.s32 v5, v47;
	v35 =	vbroadcast v35, $0x0;
	v34 =	vshll.u32 v44, v1;
	v40 =	vld [tilespmem:s24+$0xFFFFFF40];
	[tilespmem:v37+s16+$0x0] =	vst.idx.msk $0xffff, v43  }
0x181: {  	v44 =	vadd.s32 v9, v53;
	v34 =	vbroadcast v34, $0x0;
	v37 =	vshrl.u32 v38, $0x3;
	v43 =	vld [tilespmem:s24+$0xFFFFFF80];
	[tilespmem:v36+s16+$0x0] =	vst.idx.msk $0xffff, v45  }
0x182: {  	v39 =	vshrl.u32 v39, $0x3;
	v45 =	vadd.s32 v13, v35;
	v36 =	vshll.u32 v37, v1;
	v38 =	vld [tilespmem:s24+$0xFFFFFFC0];
	[tilespmem:v49+s16+$0x0] =	vst.idx.msk $0xffff, v48  }
0x183: {  	v49 =	vadd.s32 v17, v34;
	v37 =	vbroadcast v36, $0x0;
	v36 =	vshll.u32 v39, v1;
	v48 =	vld [tilespmem:s24+$0x0];
	[tilespmem:v50+s16+$0x0] =	vst.idx.msk $0xffff, v46  }
0x184: {  	v36 =	vbroadcast v36, $0x0;
	v46 =	vadd.s32 v30, v41;
	[tilespmem:v52+s16+$0x0] =	vst.idx.msk $0xffff, v51;
	v39 =	vld [tilespmem:s24+$0xD0]  }
0x185: {  	[tilespmem:v42+s16+$0x0] =	vst.idx.msk $0xffff, v40;
	v40 =	vld [tilespmem:s24+$0x40];
	v42 =	vadd.s32 v21, v37  }
0x186: {  	[tilespmem:v44+s16+$0x0] =	vst.idx.msk $0xffff, v43;
	v43 =	vld [tilespmem:s24+$0x80];
	v44 =	vadd.s32 v25, v36  }
0x187: {  	v51 =	vadd.s32 v6, v47;
	v50 =	vld [tilespmem:s24+$0xFFFFFF50];
	[tilespmem:v45+s16+$0x0] =	vst.idx.msk $0xffff, v38  }
0x188: {  	v45 =	vadd.s32 v10, v53;
	v38 =	vld [tilespmem:s24+$0xFFFFFF90];
	[tilespmem:v49+s16+$0x0] =	vst.idx.msk $0xffff, v48  }
0x189: {  	v49 =	vadd.s32 v14, v35;
	v48 =	vld [tilespmem:s24+$0xFFFFFFD0];
	[tilespmem:v46+s16+$0x0] =	vst.idx.msk $0xffff, v39  }
0x18a: {  	[tilespmem:v42+s16+$0x0] =	vst.idx.msk $0xffff, v40;
	v39 =	vld [tilespmem:s24+$0xE0];
	v40 =	vadd.s32 v31, v41  }
0x18b: {  	v46 =	vadd.s32 v18, v34;
	v42 =	vld [tilespmem:s24+$0x10];
	[tilespmem:v44+s16+$0x0] =	vst.idx.msk $0xffff, v43  }
0x18c: {  	v44 =	vadd.s32 v22, v37;
	[tilespmem:v51+s16+$0x0] =	vst.idx.msk $0xffff, v50;
	v43 =	vld [tilespmem:s24+$0x50]  }
0x18d: {  	[tilespmem:v45+s16+$0x0] =	vst.idx.msk $0xffff, v38;
	v38 =	vld [tilespmem:s24+$0x90];
	v45 =	vadd.s32 v26, v36  }
0x18e: {  	v51 =	vadd.s32 v2, v33;
	v50 =	vld [tilespmem:s24+$0xFFFFFF10];
	[tilespmem:v49+s16+$0x0] =	vst.idx.msk $0xffff, v48  }
0x18f: {  	v49 =	vadd.s32 v7, v47;
	v48 =	vld [tilespmem:s24+$0xFFFFFF60];
	[tilespmem:v40+s16+$0x0] =	vst.idx.msk $0xffff, v39  }
0x190: {  	[tilespmem:v46+s16+$0x0] =	vst.idx.msk $0xffff, v42;
	v39 =	vld [tilespmem:s24+$0xF0];
	v46 =	vadd.s32 v32, v41  }
0x191: {  	v56 =	vadd.s32 v11, v53;
	v55 =	vld [tilespmem:s24+$0xFFFFFFA0];
	[tilespmem:v44+s16+$0x0] =	vst.idx.msk $0xffff, v43  }
0x192: {  	v58 =	vadd.s32 v15, v35;
	v57 =	vld [tilespmem:s24+$0xFFFFFFE0];
	[tilespmem:v45+s16+$0x0] =	vst.idx.msk $0xffff, v38  }
0x193: {  	v60 =	vadd.s32 v19, v34;
	[tilespmem:v51+s16+$0x0] =	vst.idx.msk $0xffff, v50;
	v59 =	vld [tilespmem:s24+$0x20]  }
.Ltmp4:
0x194: {  	s26 =	sadd.s32 $0x1, s25;
	v41 =	vadd.s32 v23, v37;
	v38 =	vmov s25;
	[tilespmem:v49+s16+$0x0] =	vst.idx.msk $0xffff, v48;
	v40 =	vld [tilespmem:s24+$0x60];
	(pc) =	sbr.rel @p1 .LBB2_11-.Ltmp4, $4  }
0x195: {  	s28 =	sadd.s32 $0x3, s25;
	v52 =	vmov s26;
	s26 =	sadd.s32 $0x2, s25;
	v43 =	vadd.s32 v27, v36;
	v50 =	vshrl.u32 v38, $0x3;
	v42 =	vld [tilespmem:s24+$0xA0];
	[tilespmem:v46+s16+$0x0] =	vst.idx.msk $0xffff, v39  }
0x196: {  	v54 =	vmov s26;
	s26 =	sadd.s32 $0x4, s25;
	v44 =	vmov s28;
	s28 =	sadd.s32 $0x5, s25;
	v48 =	vadd.s32 v3, v33;
	v45 =	vld [tilespmem:s24+$0xFFFFFF20];
	[tilespmem:v56+s16+$0x0] =	vst.idx.msk $0xffff, v55  }
0x197: {  	v38 =	vmov s28;
	v51 =	vadd.s32 v8, v47;
	v46 =	vmov s26;
	s26 =	sadd.s32 $0x6, s25;
	v49 =	vld [tilespmem:s24+$0xFFFFFF70];
	[tilespmem:v58+s16+$0x0] =	vst.idx.msk $0xffff, v57  }
0x198: {  	v53 =	vadd.s32 v12, v53;
	v47 =	vshll.u32 v50, v1;
	v39 =	vmov s26;
	s26 =	sadd.s32 $0x7, s25;
	s25 =	sadd.s32 $0x8, s25;
	v50 =	vld [tilespmem:s24+$0xFFFFFFB0];
	[tilespmem:v60+s16+$0x0] =	vst.idx.msk $0xffff, v59  }
0x199: {  	_ =	sdelay $0x2  }
0x19a: {  	v52 =	vshrl.u32 v52, $0x3  }
0x19b: {  	v55 =	vmov s26;
	v56 =	vld [tilespmem:s24+$0xFFFFFFF0];
	v35 =	vadd.s32 v16, v35;
	[tilespmem:v41+s16+$0x0] =	vst.idx.msk $0xffff, v40;
	v57 =	vshrl.u32 v54, $0x3  }
0x19c: {  	v59 =	vld [tilespmem:s24+$0x30];
	v34 =	vadd.s32 v20, v34;
	v60 =	vshrl.u32 v44, $0x3;
	v58 =	vshrl.u32 v55, $0x3;
	[tilespmem:v43+s16+$0x0] =	vst.idx.msk $0xffff, v42  }
0x19d: {  	v37 =	vadd.s32 v24, v37;
	v62 =	vshrl.u32 v46, $0x3;
	v61 =	vld [tilespmem:s24+$0x70];
	v41 =	vshll.u32 v58, v1;
	[tilespmem:v48+s16+$0x0] =	vst.idx.msk $0xffff, v45  }
0x19e: {  	v36 =	vadd.s32 v28, v36;
	v46 =	vbroadcast v47, $0x0;
	v63 =	vld [tilespmem:s24+$0xB0];
	v41 =	vbroadcast v41, $0x0;
	[tilespmem:v51+s16+$0x0] =	vst.idx.msk $0xffff, v49  }
0x19f: {  	v33 =	vadd.s32 v4, v33;
	s31 =	sadd.s32 $0x200, s24;
	v38 =	vshrl.u32 v38, $0x3;
	v55 =	vshll.u32 v52, v1;
	v48 =	vld [tilespmem:s24+$0xFFFFFF30];
	[tilespmem:v53+s16+$0x0] =	vst.idx.msk $0xffff, v50  }
0x1a0: {  	v40 =	vshll.u32 v57, v1;
	v47 =	vbroadcast v55, $0x0;
	v49 =	vld [tilespmem:s31+$0xC0];
	v50 =	vadd.s32 v29, v41;
	[tilespmem:v35+s16+$0x0] =	vst.idx.msk $0xffff, v56  }
0x1a1: {  	v42 =	vshll.u32 v60, v1;
	v40 =	vbroadcast v40, $0x0;
	v35 =	vld [tilespmem:s31+$0xFFFFFF00];
	v56 =	vadd.s32 v0, v46;
	[tilespmem:v34+s16+$0x0] =	vst.idx.msk $0xffff, v59  }
0x1a2: {  	v57 =	vld [tilespmem:s31+$0xFFFFFF40];
	v44 =	vshll.u32 v62, v1;
	v42 =	vbroadcast v42, $0x0;
	v58 =	vadd.s32 v5, v47;
	[tilespmem:v37+s16+$0x0] =	vst.idx.msk $0xffff, v61  }
0x1a3: {  	v38 =	vshll.u32 v38, v1;
	v44 =	vbroadcast v44, $0x0;
	v60 =	vadd.s32 v9, v40;
	v59 =	vld [tilespmem:s31+$0xFFFFFF80];
	[tilespmem:v36+s16+$0x0] =	vst.idx.msk $0xffff, v63  }
0x1a4: {  	v38 =	vbroadcast v38, $0x0;
	v62 =	vadd.s32 v13, v42;
	v61 =	vld [tilespmem:s31+$0xFFFFFFC0];
	[tilespmem:v33+s16+$0x0] =	vst.idx.msk $0xffff, v48  }
0x1a5: {  	v39 =	vshrl.u32 v39, $0x3;
	v63 =	vadd.s32 v17, v44;
	v33 =	vld [tilespmem:s31+$0x0];
	[tilespmem:v50+s16+$0x0] =	vst.idx.msk $0xffff, v49  }
0x1a6: {  	v39 =	vshll.u32 v39, v1;
	v34 =	vld [tilespmem:s31+$0x40];
	[tilespmem:v56+s16+$0x0] =	vst.idx.msk $0xffff, v35;
	v56 =	vadd.s32 v21, v38  }
0x1a7: {  	[tilespmem:v58+s16+$0x0] =	vst.idx.msk $0xffff, v57;
	v35 =	vbroadcast v39, $0x0;
	v49 =	vadd.s32 v30, v41;
	v39 =	vld [tilespmem:s31+$0xD0]  }
0x1a8: {  	[tilespmem:v60+s16+$0x0] =	vst.idx.msk $0xffff, v59;
	v59 =	vld [tilespmem:s31+$0xFFFFFF50];
	v60 =	vadd.s32 v6, v47  }
0x1a9: {  	v57 =	vld [tilespmem:s31+$0x80];
	[tilespmem:v62+s16+$0x0] =	vst.idx.msk $0xffff, v61;
	v58 =	vadd.s32 v25, v35  }
0x1aa: {  	v61 =	vld [tilespmem:s31+$0xFFFFFF90];
	v62 =	vadd.s32 v10, v40;
	[tilespmem:v63+s16+$0x0] =	vst.idx.msk $0xffff, v33  }
0x1ab: {  	v33 =	vld [tilespmem:s31+$0xFFFFFFD0];
	v63 =	vadd.s32 v14, v42;
	[tilespmem:v56+s16+$0x0] =	vst.idx.msk $0xffff, v34  }
0x1ac: {  	v56 =	vadd.s32 v18, v44;
	[tilespmem:v49+s16+$0x0] =	vst.idx.msk $0xffff, v39;
	v49 =	vld [tilespmem:s31+$0x10]  }
0x1ad: {  	[tilespmem:v60+s16+$0x0] =	vst.idx.msk $0xffff, v59;
	v39 =	vadd.s32 v31, v41;
	v34 =	vld [tilespmem:s31+$0xE0]  }
0x1ae: {  	[tilespmem:v58+s16+$0x0] =	vst.idx.msk $0xffff, v57;
	v57 =	vld [tilespmem:s31+$0x50];
	v58 =	vadd.s32 v22, v38  }
0x1af: {  	[tilespmem:v62+s16+$0x0] =	vst.idx.msk $0xffff, v61;
	v61 =	vld [tilespmem:s31+$0xFFFFFF10];
	v62 =	vadd.s32 v2, v46  }
0x1b0: {  	v60 =	vadd.s32 v26, v35;
	v59 =	vld [tilespmem:s31+$0x90];
	[tilespmem:v63+s16+$0x0] =	vst.idx.msk $0xffff, v33  }
0x1b1: {  	v55 =	vadd.s32 v11, v40;
	v54 =	vadd.s32 v32, v41;
	v41 =	vld [tilespmem:s31+$0xFFFFFFA0];
	[tilespmem:v56+s16+$0x0] =	vst.idx.msk $0xffff, v49  }
0x1b2: {  	v53 =	vadd.s32 v7, v47;
	v63 =	vld [tilespmem:s31+$0xFFFFFF60];
	[tilespmem:v39+s16+$0x0] =	vst.idx.msk $0xffff, v34  }
0x1b3: {  	v56 =	vld [tilespmem:s31+$0xFFFFFFE0];
	[tilespmem:v58+s16+$0x0] =	vst.idx.msk $0xffff, v57;
	v57 =	vadd.s32 v15, v42  }
0x1b4: {  	[tilespmem:v62+s16+$0x0] =	vst.idx.msk $0xffff, v61;
	v34 =	vld [tilespmem:s31+$0xF0]  }
0x1b5: {  	v58 =	vld [tilespmem:s31+$0x20];
	[tilespmem:v60+s16+$0x0] =	vst.idx.msk $0xffff, v59;
	v59 =	vadd.s32 v19, v44  }
0x1b6: {  	v61 =	vadd.s32 v23, v38;
	[tilespmem:v55+s16+$0x0] =	vst.idx.msk $0xffff, v41;
	v60 =	vld [tilespmem:s31+$0x60]  }
0x1b7: {  	[tilespmem:v53+s16+$0x0] =	vst.idx.msk $0xffff, v63;
	v63 =	vadd.s32 v27, v35;
	v62 =	vld [tilespmem:s31+$0xA0]  }
0x1b8: {  	v47 =	vadd.s32 v8, v47;
	v55 =	vld [tilespmem:s31+$0xFFFFFF70];
	[tilespmem:v57+s16+$0x0] =	vst.idx.msk $0xffff, v56  }
0x1b9: {  	v53 =	vld [tilespmem:s31+$0xFFFFFF20];
	[tilespmem:v54+s16+$0x0] =	vst.idx.msk $0xffff, v34;
	v54 =	vadd.s32 v3, v46  }
0x1ba: {  	v40 =	vadd.s32 v12, v40;
	v56 =	vld [tilespmem:s31+$0xFFFFFFB0];
	[tilespmem:v59+s16+$0x0] =	vst.idx.msk $0xffff, v58  }
0x1bb: {  	v42 =	vadd.s32 v16, v42;
	v57 =	vld [tilespmem:s31+$0xFFFFFFF0];
	[tilespmem:v61+s16+$0x0] =	vst.idx.msk $0xffff, v60  }
0x1bc: {  	v59 =	vadd.s32 v20, v44;
	v58 =	vld [tilespmem:s31+$0x30];
	[tilespmem:v63+s16+$0x0] =	vst.idx.msk $0xffff, v62  }
0x1bd: {  	v38 =	vadd.s32 v24, v38;
	v60 =	vld [tilespmem:s31+$0x70];
	[tilespmem:v47+s16+$0x0] =	vst.idx.msk $0xffff, v55  }
0x1be: {  	v35 =	vadd.s32 v28, v35;
	v61 =	vld [tilespmem:s31+$0xB0];
	[tilespmem:v54+s16+$0x0] =	vst.idx.msk $0xffff, v53  }
0x1bf: {  	v63 =	vadd.s32 v4, v46;
	[tilespmem:v40+s16+$0x0] =	vst.idx.msk $0xffff, v56;
	v62 =	vld [tilespmem:s31+$0xFFFFFF30]  }
0x1c0: {  	s22 =	sadd.s32 s6, s22;
	[tilespmem:v42+s16+$0x0] =	vst.idx.msk $0xffff, v57  }
0x1c1: {  	s25 =	sshll.u32 s22, $0x7;
	[tilespmem:v59+s16+$0x0] =	vst.idx.msk $0xffff, v58  }
0x1c2: {  	s22 =	sshll.u32 s22, $0xA;
	s24 =	sand.u32 $0x3F00, s25;
	[tilespmem:v38+s16+$0x0] =	vst.idx.msk $0xffff, v60  }
0x1c3: {  	s22 =	sand.u32 $0xFFE0000, s22;
	s24 =	sadd.s32 s1, s24;
	[tilespmem:v35+s16+$0x0] =	vst.idx.msk $0xffff, v61  }
0x1c4: {  	s26 =	simm.s32 $0xE400;
	s24 =	sadd.s32 s22, s24;
	[tilespmem:v63+s16+$0x0] =	vst.idx.msk $0xffff, v62  }
0x1c5: {  	[hbm4b:s24+s3] =	stream.linear.scatter [tilespmem:s26], [sflag:$0x2], $0x80, $0x38;
	[tilespmem:$0x12800] =	vst v63  }
0x1c6: {  	s29 =	simm.s32 $0xE488;
	s25 =	sadd.s32 $0x10, s24  }
0x1c7: {  	[hbm4b:s25+s3] =	stream.linear.scatter [tilespmem:s29], [sflag:$0x2], $0x80, $0x38;
	[tilespmem:$0x12800] =	vst v63  }
0x1c8: {  	s30 =	simm.s32 $0xE510;
	s22 =	simm.s32 $0x440;
	s31 =	sadd.s32 $0x20, s24  }
0x1c9: {  	[hbm4b:s31+s3] =	stream.linear.scatter [tilespmem:s30], [sflag:$0x2], $0x80, $0x38;
	[tilespmem:$0x12800] =	vst v63  }
0x1ca: {  	s28 =	sadd.s32 $0x70, s24;
	s26 =	simm.s32 $0xE598;
	s29 =	sadd.s32 $0x30, s24  }
0x1cb: {  	[hbm4b:s29+s3] =	stream.linear.scatter [tilespmem:s26], [sflag:$0x2], $0x80, $0x38;
	[tilespmem:$0x12800] =	vst v63  }
0x1cc: {  	s25 =	simm.s32 $0x2200;
	s30 =	simm.s32 $0xE620;
	s31 =	sadd.s32 $0x40, s24  }
0x1cd: {  	[hbm4b:s31+s3] =	stream.linear.scatter [tilespmem:s30], [sflag:$0x2], $0x80, $0x38;
	[tilespmem:$0x12800] =	vst v63  }
0x1ce: {  	s26 =	simm.s32 $0xE6A8;
	s29 =	sadd.s32 $0x50, s24;
	s30 =	simm.s32 $0xE730  }
0x1cf: {  	[hbm4b:s29+s3] =	stream.linear.scatter [tilespmem:s26], [sflag:$0x2], $0x80, $0x38;
	[tilespmem:$0x12800] =	vst v63  }
0x1d0: {  	s31 =	sadd.s32 $0x60, s24;
	s24 =	sadd.s32 $0x4000, s24;
	s26 =	simm.s32 $0xE7B8  }
0x1d1: {  	[hbm4b:s31+s3] =	stream.linear.scatter [tilespmem:s30], [sflag:$0x2], $0x80, $0x38;
	[tilespmem:$0x12800] =	vst v63  }
.LBB2_13:
0x1d2: {  	[hbm4b:s28+s3] =	stream.linear.scatter [tilespmem:s26], [sflag:$0x2], $0x80, $0x38;
	[tilespmem:$0x12800] =	vst v63  }
0x1d3: {  	s26 =	smov.u32 s22;
	s22 =	smov.u32 s25  }
0x1d4: {  	s29 =	sadd.s32 $0x1100, s25;
	s22 =	sshra.s32 s22, $0x2;
	s28 =	sadd.s32 $0xE400, s26  }
0x1d5: {  	[hbm4b:s24+s3] =	stream.linear.scatter [tilespmem:s28], [sflag:$0x2], $0x80, $0x38;
	[tilespmem:$0x12800] =	vst v63  }
0x1d6: {  	p1 =	sne.s32 s25, $0x7700;
	s25 =	sadd.s32 $0xE488, s26;
	s28 =	sadd.s32 $0x10, s24  }
0x1d7: {  	[hbm4b:s28+s3] =	stream.linear.scatter [tilespmem:s25], [sflag:$0x2], $0x80, $0x38;
	[tilespmem:$0x12800] =	vst v63  }
0x1d8: {  	s25 =	sadd.s32 $0xE510, s26;
	s28 =	sadd.s32 $0x20, s24  }
0x1d9: {  	[hbm4b:s28+s3] =	stream.linear.scatter [tilespmem:s25], [sflag:$0x2], $0x80, $0x38;
	[tilespmem:$0x12800] =	vst v63  }
0x1da: {  	s25 =	sadd.s32 $0xE598, s26;
	s28 =	sadd.s32 $0x30, s24  }
0x1db: {  	[hbm4b:s28+s3] =	stream.linear.scatter [tilespmem:s25], [sflag:$0x2], $0x80, $0x38;
	[tilespmem:$0x12800] =	vst v63  }
0x1dc: {  	s25 =	sadd.s32 $0xE620, s26;
	s28 =	sadd.s32 $0x40, s24  }
0x1dd: {  	[hbm4b:s28+s3] =	stream.linear.scatter [tilespmem:s25], [sflag:$0x2], $0x80, $0x38;
	[tilespmem:$0x12800] =	vst v63  }
.Ltmp5:
0x1de: {  	s25 =	sadd.s32 $0xE6A8, s26;
	s28 =	sadd.s32 $0x50, s24;
	(pc) =	sbr.rel @p1 .LBB2_13-.Ltmp5, $4  }
0x1df: {  	[hbm4b:s28+s3] =	stream.linear.scatter [tilespmem:s25], [sflag:$0x2], $0x80, $0x38;
	[tilespmem:$0x12800] =	vst v63  }
0x1e0: {  	s25 =	sadd.s32 $0xE730, s26;
	s28 =	sadd.s32 $0x60, s24;
	s26 =	sadd.s32 $0xE7B8, s26  }
0x1e1: {  	[hbm4b:s28+s3] =	stream.linear.scatter [tilespmem:s25], [sflag:$0x2], $0x80, $0x38;
	[tilespmem:$0x12800] =	vst v63  }
0x1e2: {  	s28 =	sadd.s32 $0x70, s24;
	s24 =	sadd.s32 $0x4000, s24;
	s25 =	smov.u32 s29  }
0x1e3: {  	[hbm4b:s28+s3] =	stream.linear.scatter [tilespmem:s26], [sflag:$0x2], $0x80, $0x38;
	[tilespmem:$0x12800] =	vst v63  }
0x1e4: {  	s25 =	sadd.s32 $0xE400, s22  }
0x1e5: {  	[hbm4b:s24+s3] =	stream.linear.scatter [tilespmem:s25], [sflag:$0x2], $0x80, $0x38;
	[tilespmem:$0x12800] =	vst v63  }
0x1e6: {  	s30 =	sadd.s32 $0xE488, s22;
	s31 =	sadd.s32 $0x10, s24  }
0x1e7: {  	[hbm4b:s31+s3] =	stream.linear.scatter [tilespmem:s30], [sflag:$0x2], $0x80, $0x38;
	[tilespmem:$0x12800] =	vst v63  }
0x1e8: {  	s28 =	sadd.s32 $0xE510, s22;
	s29 =	sadd.s32 $0x20, s24  }
0x1e9: {  	[hbm4b:s29+s3] =	stream.linear.scatter [tilespmem:s28], [sflag:$0x2], $0x80, $0x38;
	[tilespmem:$0x12800] =	vst v63  }
0x1ea: {  	s30 =	sadd.s32 $0xE598, s22;
	s31 =	sadd.s32 $0x30, s24  }
0x1eb: {  	[hbm4b:s31+s3] =	stream.linear.scatter [tilespmem:s30], [sflag:$0x2], $0x80, $0x38;
	[tilespmem:$0x12800] =	vst v63  }
0x1ec: {  	s28 =	sadd.s32 $0xE620, s22;
	s29 =	sadd.s32 $0x40, s24  }
0x1ed: {  	[hbm4b:s29+s3] =	stream.linear.scatter [tilespmem:s28], [sflag:$0x2], $0x80, $0x38;
	[tilespmem:$0x12800] =	vst v63  }
0x1ee: {  	s25 =	simm.s32 $0x2;
	s30 =	sadd.s32 $0xE6A8, s22;
	s31 =	sadd.s32 $0x50, s24  }
0x1ef: {  	[hbm4b:s31+s3] =	stream.linear.scatter [tilespmem:s30], [sflag:$0x2], $0x80, $0x38;
	[tilespmem:$0x12800] =	vst v63  }
0x1f0: {  	s26 =	sadd.s32 $0xE730, s22;
	v35 =	vmov s25;
	s28 =	sadd.s32 $0x60, s24  }
0x1f1: {  	v35 =	vshrl.u32 v35, $0x3;
	[hbm4b:s28+s3] =	stream.linear.scatter [tilespmem:s26], [sflag:$0x2], $0x80, $0x38;
	[tilespmem:$0x12800] =	vst v63  }
0x1f2: {  	v52 =	vshll.u32 v35, v1;
	s29 =	sadd.s32 $0xE7B8, s22;
	s30 =	sadd.s32 $0x70, s24  }
0x1f3: {  	v52 =	vbroadcast v52, $0x0;
	[hbm4b:s30+s3] =	stream.linear.scatter [tilespmem:s29], [sflag:$0x2], $0x80, $0x38;
	[tilespmem:$0x12800] =	vst v63  }
0x1f4: {  	s31 =	simm.s32 $0x0;
	_ =	swait.ge [sflag:s14], $0x2000  }
0x1f5: {  	v49 =	vadd.s32 v9, v52;
	s24 =	simm.s32 $0x1;
	v33 =	vmov s31;
	s29 =	simm.s32 $0x7;
	[sflag:s14] =	ssyncset.done $0x0  }
0x1f6: {  	s23 =	sadd.s32 @!p0 $0x300, s23;
	v34 =	vmov s24;
	s31 =	simm.s32 $0x6;
	v33 =	vshrl.u32 v33, $0x3;
	v38 =	vmov s29;
	[sflag:s14] =	ssyncadd.s32 $0xFFFFE000  }
0x1f7: {  	s26 =	simm.s32 $0x3;
	s28 =	simm.s32 $0x4;
	v40 =	vmov s31;
	v34 =	vshrl.u32 v34, $0x3;
	v38 =	vshrl.u32 v38, $0x3;
	_ =	swait.ge [sflag:s18], $0x2000  }
0x1f8: {  	s25 =	simm.s32 @!p0 $0xA400;
	s22 =	simm.s32 $0xC500;
	v36 =	vmov s26;
	v37 =	vmov s28;
	v38 =	vshll.u32 v38, v1;
	[sflag:s18] =	ssyncset.done $0x0  }
0x1f9: {  	s24 =	simm.s32 @!p0 $0x80;
	v33 =	vshll.u32 v33, v1;
	v34 =	vshll.u32 v34, v1;
	s30 =	simm.s32 $0x5;
	v38 =	vbroadcast v38, $0x0;
	[sflag:s18] =	ssyncadd.s32 $0xFFFFE000  }
0x1fa: {  	v36 =	vshrl.u32 v36, $0x3;
	v37 =	vshrl.u32 v37, $0x3;
	v33 =	vbroadcast v33, $0x0;
	[tilespmem:s25], [sflag:$0x1] =	stream.indirect.gather @!p0 [hbm4b:s4+s24], $0x40, s23, s24, $0xb8;
	[tilespmem:$0x12800] =	vst v63  }
0x1fb: {  	v45 =	vbroadcast v34, $0x0;
	v39 =	vmov s30;
	v42 =	vadd.s32 v29, v38;
	v41 =	vld [tilespmem:s22+$0xC0]  }
0x1fc: {  	v53 =	vshll.u32 v36, v1;
	v54 =	vshll.u32 v37, v1;
	v44 =	vadd.s32 v0, v33;
	v43 =	vld [tilespmem:s22+$0xFFFFFF00]  }
0x1fd: {  	v47 =	vadd.s32 v5, v45;
	v35 =	vbroadcast v53, $0x0;
	v55 =	vshrl.u32 v39, $0x3;
	v46 =	vld [tilespmem:s22+$0xFFFFFF40]  }
0x1fe: {  	v40 =	vshrl.u32 v40, $0x3;
	v34 =	vbroadcast v54, $0x0;
	v36 =	vshll.u32 v55, v1;
	v48 =	vld [tilespmem:s22+$0xFFFFFF80]  }
0x1ff: {  	v56 =	vshll.u32 v40, v1;
	v50 =	vadd.s32 v13, v35;
	v37 =	vbroadcast v36, $0x0;
	v39 =	vld [tilespmem:s22+$0xFFFFFFC0]  }
0x200: {  	v53 =	vadd.s32 v17, v34;
	v36 =	vbroadcast v56, $0x0;
	v51 =	vld [tilespmem:s22+$0x0];
	[tilespmem:v42+s17+$0x0] =	vst.idx.msk $0xffff, v41  }
0x201: {  	v60 =	vadd.s32 v21, v37;
	v59 =	vld [tilespmem:s22+$0x40];
	[tilespmem:v44+s17+$0x0] =	vst.idx.msk $0xffff, v43  }
0x202: {  	v62 =	vadd.s32 v25, v36;
	v61 =	vld [tilespmem:s22+$0x80];
	[tilespmem:v47+s17+$0x0] =	vst.idx.msk $0xffff, v46  }
0x203: {  	v58 =	vadd.s32 v30, v38;
	[tilespmem:v49+s17+$0x0] =	vst.idx.msk $0xffff, v48;
	v57 =	vld [tilespmem:s22+$0xD0]  }
0x204: {  	v63 =	vadd.s32 v6, v45;
	[tilespmem:v50+s17+$0x0] =	vst.idx.msk $0xffff, v39;
	v47 =	vld [tilespmem:s22+$0xFFFFFF50]  }
0x205: {  	v55 =	vadd.s32 v10, v52;
	[tilespmem:v53+s17+$0x0] =	vst.idx.msk $0xffff, v51;
	v54 =	vld [tilespmem:s22+$0xFFFFFF90]  }
0x206: {  	v56 =	vadd.s32 v14, v35;
	[tilespmem:v60+s17+$0x0] =	vst.idx.msk $0xffff, v59;
	v50 =	vld [tilespmem:s22+$0xFFFFFFD0]  }
0x207: {  	[tilespmem:v62+s17+$0x0] =	vst.idx.msk $0xffff, v61;
	v46 =	vadd.s32 v22, v37;
	v44 =	vld [tilespmem:s22+$0x50]  }
0x208: {  	v59 =	vadd.s32 v18, v34;
	[tilespmem:v58+s17+$0x0] =	vst.idx.msk $0xffff, v57;
	v58 =	vld [tilespmem:s22+$0x10]  }
0x209: {  	v57 =	vadd.s32 v31, v38;
	[tilespmem:v63+s17+$0x0] =	vst.idx.msk $0xffff, v47;
	v40 =	vld [tilespmem:s22+$0xE0]  }
0x20a: {  	v60 =	vadd.s32 v26, v36;
	[tilespmem:v55+s17+$0x0] =	vst.idx.msk $0xffff, v54;
	v63 =	vld [tilespmem:s22+$0x90]  }
0x20b: {  	v62 =	vadd.s32 v2, v33;
	v61 =	vld [tilespmem:s22+$0xFFFFFF10];
	[tilespmem:v56+s17+$0x0] =	vst.idx.msk $0xffff, v50  }
0x20c: {  	v51 =	vadd.s32 v7, v45;
	[tilespmem:v46+s17+$0x0] =	vst.idx.msk $0xffff, v44;
	v50 =	vld [tilespmem:s22+$0xFFFFFF60]  }
0x20d: {  	v56 =	vadd.s32 v11, v52;
	v55 =	vld [tilespmem:s22+$0xFFFFFFA0];
	[tilespmem:v59+s17+$0x0] =	vst.idx.msk $0xffff, v58  }
0x20e: {  	v58 =	vadd.s32 v15, v35;
	[tilespmem:v57+s17+$0x0] =	vst.idx.msk $0xffff, v40;
	v57 =	vld [tilespmem:s22+$0xFFFFFFE0]  }
0x20f: {  	[tilespmem:v60+s17+$0x0] =	vst.idx.msk $0xffff, v63;
	v60 =	vadd.s32 v19, v34;
	v59 =	vld [tilespmem:s22+$0x20]  }
0x210: {  	s25 =	simm.s32 $0x9;
	v38 =	vadd.s32 v32, v38;
	[tilespmem:v62+s17+$0x0] =	vst.idx.msk $0xffff, v61;
	v54 =	vld [tilespmem:s22+$0xF0]  }
0x211: {  	s24 =	simm.s32 $0x8;
	v41 =	vadd.s32 v23, v37;
	v53 =	vmov s25;
	[tilespmem:v51+s17+$0x0] =	vst.idx.msk $0xffff, v50;
	v40 =	vld [tilespmem:s22+$0x60]  }
0x212: {  	s28 =	simm.s32 $0xB;
	s29 =	simm.s32 $0xC;
	v43 =	vadd.s32 v27, v36;
	v48 =	vadd.s32 v3, v33;
	v63 =	vmov s24;
	v42 =	vld [tilespmem:s22+$0xA0];
	[tilespmem:v56+s17+$0x0] =	vst.idx.msk $0xffff, v55  }
0x213: {  	s31 =	simm.s32 $0xE;
	v44 =	vmov s28;
	v47 =	vmov s29;
	v46 =	vld [tilespmem:s22+$0xFFFFFF20];
	v39 =	vshrl.u32 v63, $0x3;
	[tilespmem:v58+s17+$0x0] =	vst.idx.msk $0xffff, v57  }
0x214: {  	s26 =	simm.s32 $0xA;
	s30 =	simm.s32 $0xD;
	v51 =	vadd.s32 v8, v45;
	v49 =	vld [tilespmem:s22+$0xFFFFFF70];
	v45 =	vshll.u32 v39, v1;
	v39 =	vmov s31;
	[tilespmem:v60+s17+$0x0] =	vst.idx.msk $0xffff, v59  }
0x215: {  	s23 =	simm.s32 $0x10;
	v52 =	vadd.s32 v12, v52;
	s24 =	simm.s32 $0xF;
	v50 =	vld [tilespmem:s22+$0xFFFFFFB0];
	[tilespmem:v38+s17+$0x0] =	vst.idx.msk $0xffff, v54;
	v54 =	vmov s26;
	v38 =	vmov s30  }
.LBB2_15:
0x216: {  	p0 =	slt.u32 s23, $0x78;
	v53 =	vshrl.u32 v53, $0x3;
	v55 =	vmov s24;
	v56 =	vld [tilespmem:s22+$0xFFFFFFF0];
	v35 =	vadd.s32 v16, v35;
	[tilespmem:v41+s17+$0x0] =	vst.idx.msk $0xffff, v40  }
0x217: {  	v40 =	vshrl.u32 v54, $0x3;
	v34 =	vadd.s32 v20, v34;
	v41 =	vshrl.u32 v55, $0x3;
	v54 =	vld [tilespmem:s22+$0x30];
	[tilespmem:v43+s17+$0x0] =	vst.idx.msk $0xffff, v42  }
0x218: {  	v37 =	vadd.s32 v24, v37;
	v42 =	vshrl.u32 v44, $0x3;
	v41 =	vshll.u32 v41, v1;
	[tilespmem:v48+s17+$0x0] =	vst.idx.msk $0xffff, v46;
	v43 =	vld [tilespmem:s22+$0x70]  }
0x219: {  	v36 =	vadd.s32 v28, v36;
	v44 =	vshrl.u32 v47, $0x3;
	v41 =	vbroadcast v41, $0x0;
	[tilespmem:v51+s17+$0x0] =	vst.idx.msk $0xffff, v49;
	v46 =	vld [tilespmem:s22+$0xB0]  }
0x21a: {  	v47 =	vshll.u32 v53, v1;
	v49 =	vadd.s32 v4, v33;
	v33 =	vbroadcast v45, $0x0;
	v48 =	vld [tilespmem:s22+$0xFFFFFF30];
	[tilespmem:v52+s17+$0x0] =	vst.idx.msk $0xffff, v50;
	s22 =	sadd.s32 $0x200, s22  }
0x21b: {  	v40 =	vshll.u32 v40, v1;
	v45 =	vbroadcast v47, $0x0;
	v47 =	vld [tilespmem:s22+$0xC0];
	v50 =	vadd.s32 v29, v41;
	[tilespmem:v35+s17+$0x0] =	vst.idx.msk $0xffff, v56  }
0x21c: {  	v55 =	vbroadcast v40, $0x0;
	v52 =	vadd.s32 v0, v33;
	v35 =	vshll.u32 v42, v1;
	v51 =	vld [tilespmem:s22+$0xFFFFFF00];
	[tilespmem:v34+s17+$0x0] =	vst.idx.msk $0xffff, v54  }
0x21d: {  	v42 =	vadd.s32 v5, v45;
	v35 =	vbroadcast v35, $0x0;
	v34 =	vshll.u32 v44, v1;
	v40 =	vld [tilespmem:s22+$0xFFFFFF40];
	[tilespmem:v37+s17+$0x0] =	vst.idx.msk $0xffff, v43  }
0x21e: {  	v44 =	vadd.s32 v9, v55;
	v34 =	vbroadcast v34, $0x0;
	v37 =	vshrl.u32 v38, $0x3;
	v43 =	vld [tilespmem:s22+$0xFFFFFF80];
	[tilespmem:v36+s17+$0x0] =	vst.idx.msk $0xffff, v46  }
0x21f: {  	v39 =	vshrl.u32 v39, $0x3;
	v46 =	vadd.s32 v13, v35;
	v36 =	vshll.u32 v37, v1;
	v38 =	vld [tilespmem:s22+$0xFFFFFFC0];
	[tilespmem:v49+s17+$0x0] =	vst.idx.msk $0xffff, v48  }
0x220: {  	v49 =	vadd.s32 v17, v34;
	v37 =	vbroadcast v36, $0x0;
	v36 =	vshll.u32 v39, v1;
	v48 =	vld [tilespmem:s22+$0x0];
	[tilespmem:v50+s17+$0x0] =	vst.idx.msk $0xffff, v47  }
0x221: {  	v36 =	vbroadcast v36, $0x0;
	v47 =	vadd.s32 v30, v41;
	[tilespmem:v52+s17+$0x0] =	vst.idx.msk $0xffff, v51;
	v39 =	vld [tilespmem:s22+$0xD0]  }
0x222: {  	[tilespmem:v42+s17+$0x0] =	vst.idx.msk $0xffff, v40;
	v40 =	vld [tilespmem:s22+$0x40];
	v42 =	vadd.s32 v21, v37  }
0x223: {  	[tilespmem:v44+s17+$0x0] =	vst.idx.msk $0xffff, v43;
	v43 =	vld [tilespmem:s22+$0x80];
	v44 =	vadd.s32 v25, v36  }
0x224: {  	v51 =	vadd.s32 v6, v45;
	v50 =	vld [tilespmem:s22+$0xFFFFFF50];
	[tilespmem:v46+s17+$0x0] =	vst.idx.msk $0xffff, v38  }
0x225: {  	v46 =	vadd.s32 v10, v55;
	v38 =	vld [tilespmem:s22+$0xFFFFFF90];
	[tilespmem:v49+s17+$0x0] =	vst.idx.msk $0xffff, v48  }
0x226: {  	v49 =	vadd.s32 v14, v35;
	v48 =	vld [tilespmem:s22+$0xFFFFFFD0];
	[tilespmem:v47+s17+$0x0] =	vst.idx.msk $0xffff, v39  }
0x227: {  	[tilespmem:v42+s17+$0x0] =	vst.idx.msk $0xffff, v40;
	v39 =	vld [tilespmem:s22+$0xE0];
	v40 =	vadd.s32 v31, v41  }
0x228: {  	v47 =	vadd.s32 v18, v34;
	v42 =	vld [tilespmem:s22+$0x10];
	[tilespmem:v44+s17+$0x0] =	vst.idx.msk $0xffff, v43  }
0x229: {  	v44 =	vadd.s32 v22, v37;
	[tilespmem:v51+s17+$0x0] =	vst.idx.msk $0xffff, v50;
	v43 =	vld [tilespmem:s22+$0x50]  }
0x22a: {  	[tilespmem:v46+s17+$0x0] =	vst.idx.msk $0xffff, v38;
	v38 =	vld [tilespmem:s22+$0x90];
	v46 =	vadd.s32 v26, v36  }
0x22b: {  	v51 =	vadd.s32 v2, v33;
	v50 =	vld [tilespmem:s22+$0xFFFFFF10];
	[tilespmem:v49+s17+$0x0] =	vst.idx.msk $0xffff, v48  }
0x22c: {  	v49 =	vadd.s32 v7, v45;
	v48 =	vld [tilespmem:s22+$0xFFFFFF60];
	[tilespmem:v40+s17+$0x0] =	vst.idx.msk $0xffff, v39  }
0x22d: {  	[tilespmem:v47+s17+$0x0] =	vst.idx.msk $0xffff, v42;
	v39 =	vld [tilespmem:s22+$0xF0];
	v47 =	vadd.s32 v32, v41  }
0x22e: {  	v56 =	vadd.s32 v11, v55;
	v52 =	vld [tilespmem:s22+$0xFFFFFFA0];
	[tilespmem:v44+s17+$0x0] =	vst.idx.msk $0xffff, v43  }
0x22f: {  	v58 =	vadd.s32 v15, v35;
	v57 =	vld [tilespmem:s22+$0xFFFFFFE0];
	[tilespmem:v46+s17+$0x0] =	vst.idx.msk $0xffff, v38  }
0x230: {  	v60 =	vadd.s32 v19, v34;
	[tilespmem:v51+s17+$0x0] =	vst.idx.msk $0xffff, v50;
	v59 =	vld [tilespmem:s22+$0x20]  }
.Ltmp6:
0x231: {  	s24 =	sadd.s32 $0x1, s23;
	v41 =	vadd.s32 v23, v37;
	v38 =	vmov s23;
	[tilespmem:v49+s17+$0x0] =	vst.idx.msk $0xffff, v48;
	v40 =	vld [tilespmem:s22+$0x60];
	(pc) =	sbr.rel @p0 .LBB2_15-.Ltmp6, $4  }
0x232: {  	s25 =	sadd.s32 $0x3, s23;
	v53 =	vmov s24;
	s24 =	sadd.s32 $0x2, s23;
	v43 =	vadd.s32 v27, v36;
	v50 =	vshrl.u32 v38, $0x3;
	v42 =	vld [tilespmem:s22+$0xA0];
	[tilespmem:v47+s17+$0x0] =	vst.idx.msk $0xffff, v39  }
0x233: {  	v54 =	vmov s24;
	s24 =	sadd.s32 $0x4, s23;
	v44 =	vmov s25;
	s25 =	sadd.s32 $0x5, s23;
	v48 =	vadd.s32 v3, v33;
	v46 =	vld [tilespmem:s22+$0xFFFFFF20];
	[tilespmem:v56+s17+$0x0] =	vst.idx.msk $0xffff, v52  }
0x234: {  	v38 =	vmov s25;
	v51 =	vadd.s32 v8, v45;
	v47 =	vmov s24;
	s24 =	sadd.s32 $0x6, s23;
	v49 =	vld [tilespmem:s22+$0xFFFFFF70];
	[tilespmem:v58+s17+$0x0] =	vst.idx.msk $0xffff, v57  }
0x235: {  	v45 =	vshll.u32 v50, v1;
	v39 =	vmov s24;
	s24 =	sadd.s32 $0x7, s23;
	s23 =	sadd.s32 $0x8, s23;
	v52 =	vadd.s32 v12, v55;
	v50 =	vld [tilespmem:s22+$0xFFFFFFB0];
	[tilespmem:v60+s17+$0x0] =	vst.idx.msk $0xffff, v59  }
0x236: {  	_ =	sdelay $0x2  }
0x237: {  	v53 =	vshrl.u32 v53, $0x3  }
0x238: {  	v55 =	vmov s24;
	v56 =	vld [tilespmem:s22+$0xFFFFFFF0];
	v35 =	vadd.s32 v16, v35;
	[tilespmem:v41+s17+$0x0] =	vst.idx.msk $0xffff, v40;
	v57 =	vshrl.u32 v54, $0x3  }
0x239: {  	v59 =	vld [tilespmem:s22+$0x30];
	v34 =	vadd.s32 v20, v34;
	v60 =	vshrl.u32 v44, $0x3;
	v58 =	vshrl.u32 v55, $0x3;
	[tilespmem:v43+s17+$0x0] =	vst.idx.msk $0xffff, v42  }
0x23a: {  	v37 =	vadd.s32 v24, v37;
	v62 =	vshrl.u32 v47, $0x3;
	v61 =	vld [tilespmem:s22+$0x70];
	v41 =	vshll.u32 v58, v1;
	[tilespmem:v48+s17+$0x0] =	vst.idx.msk $0xffff, v46  }
0x23b: {  	v36 =	vadd.s32 v28, v36;
	v45 =	vbroadcast v45, $0x0;
	v63 =	vld [tilespmem:s22+$0xB0];
	v41 =	vbroadcast v41, $0x0;
	[tilespmem:v51+s17+$0x0] =	vst.idx.msk $0xffff, v49  }
0x23c: {  	v33 =	vadd.s32 v4, v33;
	s25 =	sadd.s32 $0x200, s22;
	v38 =	vshrl.u32 v38, $0x3;
	v55 =	vshll.u32 v53, v1;
	v48 =	vld [tilespmem:s22+$0xFFFFFF30];
	[tilespmem:v52+s17+$0x0] =	vst.idx.msk $0xffff, v50  }
0x23d: {  	v40 =	vshll.u32 v57, v1;
	v47 =	vbroadcast v55, $0x0;
	v49 =	vld [tilespmem:s25+$0xC0];
	v50 =	vadd.s32 v29, v41;
	[tilespmem:v35+s17+$0x0] =	vst.idx.msk $0xffff, v56  }
0x23e: {  	v42 =	vshll.u32 v60, v1;
	v40 =	vbroadcast v40, $0x0;
	v35 =	vld [tilespmem:s25+$0xFFFFFF00];
	v56 =	vadd.s32 v0, v45;
	[tilespmem:v34+s17+$0x0] =	vst.idx.msk $0xffff, v59  }
0x23f: {  	v57 =	vld [tilespmem:s25+$0xFFFFFF40];
	v44 =	vshll.u32 v62, v1;
	v42 =	vbroadcast v42, $0x0;
	v58 =	vadd.s32 v5, v47;
	[tilespmem:v37+s17+$0x0] =	vst.idx.msk $0xffff, v61  }
0x240: {  	v38 =	vshll.u32 v38, v1;
	v44 =	vbroadcast v44, $0x0;
	v60 =	vadd.s32 v9, v40;
	v59 =	vld [tilespmem:s25+$0xFFFFFF80];
	[tilespmem:v36+s17+$0x0] =	vst.idx.msk $0xffff, v63  }
0x241: {  	v38 =	vbroadcast v38, $0x0;
	v62 =	vadd.s32 v13, v42;
	v61 =	vld [tilespmem:s25+$0xFFFFFFC0];
	[tilespmem:v33+s17+$0x0] =	vst.idx.msk $0xffff, v48  }
0x242: {  	v39 =	vshrl.u32 v39, $0x3;
	v63 =	vadd.s32 v17, v44;
	v33 =	vld [tilespmem:s25+$0x0];
	[tilespmem:v50+s17+$0x0] =	vst.idx.msk $0xffff, v49  }
0x243: {  	v39 =	vshll.u32 v39, v1;
	v34 =	vld [tilespmem:s25+$0x40];
	[tilespmem:v56+s17+$0x0] =	vst.idx.msk $0xffff, v35;
	v56 =	vadd.s32 v21, v38  }
0x244: {  	[tilespmem:v58+s17+$0x0] =	vst.idx.msk $0xffff, v57;
	v35 =	vbroadcast v39, $0x0;
	v49 =	vadd.s32 v30, v41;
	v39 =	vld [tilespmem:s25+$0xD0]  }
0x245: {  	[tilespmem:v60+s17+$0x0] =	vst.idx.msk $0xffff, v59;
	v59 =	vld [tilespmem:s25+$0xFFFFFF50];
	v60 =	vadd.s32 v6, v47  }
0x246: {  	v57 =	vld [tilespmem:s25+$0x80];
	[tilespmem:v62+s17+$0x0] =	vst.idx.msk $0xffff, v61;
	v58 =	vadd.s32 v25, v35  }
0x247: {  	v61 =	vld [tilespmem:s25+$0xFFFFFF90];
	v62 =	vadd.s32 v10, v40;
	[tilespmem:v63+s17+$0x0] =	vst.idx.msk $0xffff, v33  }
0x248: {  	v33 =	vld [tilespmem:s25+$0xFFFFFFD0];
	v63 =	vadd.s32 v14, v42;
	[tilespmem:v56+s17+$0x0] =	vst.idx.msk $0xffff, v34  }
0x249: {  	v56 =	vadd.s32 v18, v44;
	[tilespmem:v49+s17+$0x0] =	vst.idx.msk $0xffff, v39;
	v49 =	vld [tilespmem:s25+$0x10]  }
0x24a: {  	[tilespmem:v60+s17+$0x0] =	vst.idx.msk $0xffff, v59;
	v39 =	vadd.s32 v31, v41;
	v34 =	vld [tilespmem:s25+$0xE0]  }
0x24b: {  	[tilespmem:v58+s17+$0x0] =	vst.idx.msk $0xffff, v57;
	v57 =	vld [tilespmem:s25+$0x50];
	v58 =	vadd.s32 v22, v38  }
0x24c: {  	[tilespmem:v62+s17+$0x0] =	vst.idx.msk $0xffff, v61;
	v61 =	vld [tilespmem:s25+$0xFFFFFF10];
	v62 =	vadd.s32 v2, v45  }
0x24d: {  	v60 =	vadd.s32 v26, v35;
	v59 =	vld [tilespmem:s25+$0x90];
	[tilespmem:v63+s17+$0x0] =	vst.idx.msk $0xffff, v33  }
0x24e: {  	v55 =	vadd.s32 v11, v40;
	v54 =	vadd.s32 v32, v41;
	v41 =	vld [tilespmem:s25+$0xFFFFFFA0];
	[tilespmem:v56+s17+$0x0] =	vst.idx.msk $0xffff, v49  }
0x24f: {  	v53 =	vadd.s32 v7, v47;
	v63 =	vld [tilespmem:s25+$0xFFFFFF60];
	[tilespmem:v39+s17+$0x0] =	vst.idx.msk $0xffff, v34  }
0x250: {  	v56 =	vld [tilespmem:s25+$0xFFFFFFE0];
	[tilespmem:v58+s17+$0x0] =	vst.idx.msk $0xffff, v57;
	v57 =	vadd.s32 v15, v42  }
0x251: {  	[tilespmem:v62+s17+$0x0] =	vst.idx.msk $0xffff, v61;
	v34 =	vld [tilespmem:s25+$0xF0]  }
0x252: {  	v58 =	vld [tilespmem:s25+$0x20];
	[tilespmem:v60+s17+$0x0] =	vst.idx.msk $0xffff, v59;
	v59 =	vadd.s32 v19, v44  }
0x253: {  	v61 =	vadd.s32 v23, v38;
	[tilespmem:v55+s17+$0x0] =	vst.idx.msk $0xffff, v41;
	v60 =	vld [tilespmem:s25+$0x60]  }
0x254: {  	[tilespmem:v53+s17+$0x0] =	vst.idx.msk $0xffff, v63;
	v63 =	vadd.s32 v27, v35;
	v62 =	vld [tilespmem:s25+$0xA0]  }
0x255: {  	v47 =	vadd.s32 v8, v47;
	v55 =	vld [tilespmem:s25+$0xFFFFFF70];
	[tilespmem:v57+s17+$0x0] =	vst.idx.msk $0xffff, v56  }
0x256: {  	v53 =	vld [tilespmem:s25+$0xFFFFFF20];
	[tilespmem:v54+s17+$0x0] =	vst.idx.msk $0xffff, v34;
	v54 =	vadd.s32 v3, v45  }
0x257: {  	v40 =	vadd.s32 v12, v40;
	v56 =	vld [tilespmem:s25+$0xFFFFFFB0];
	[tilespmem:v59+s17+$0x0] =	vst.idx.msk $0xffff, v58  }
0x258: {  	v42 =	vadd.s32 v16, v42;
	v57 =	vld [tilespmem:s25+$0xFFFFFFF0];
	[tilespmem:v61+s17+$0x0] =	vst.idx.msk $0xffff, v60  }
0x259: {  	v59 =	vadd.s32 v20, v44;
	v58 =	vld [tilespmem:s25+$0x30];
	[tilespmem:v63+s17+$0x0] =	vst.idx.msk $0xffff, v62  }
0x25a: {  	v38 =	vadd.s32 v24, v38;
	v60 =	vld [tilespmem:s25+$0x70];
	[tilespmem:v47+s17+$0x0] =	vst.idx.msk $0xffff, v55  }
0x25b: {  	v35 =	vadd.s32 v28, v35;
	v61 =	vld [tilespmem:s25+$0xB0];
	[tilespmem:v54+s17+$0x0] =	vst.idx.msk $0xffff, v53  }
0x25c: {  	v63 =	vadd.s32 v4, v45;
	[tilespmem:v40+s17+$0x0] =	vst.idx.msk $0xffff, v56;
	v62 =	vld [tilespmem:s25+$0xFFFFFF30]  }
0x25d: {  	s21 =	sadd.s32 s6, s21;
	[tilespmem:v42+s17+$0x0] =	vst.idx.msk $0xffff, v57  }
0x25e: {  	s26 =	sshll.u32 s21, $0x7;
	[tilespmem:v59+s17+$0x0] =	vst.idx.msk $0xffff, v58  }
0x25f: {  	s21 =	sshll.u32 s21, $0xA;
	s22 =	sand.u32 $0x3F80, s26;
	[tilespmem:v38+s17+$0x0] =	vst.idx.msk $0xffff, v60  }
0x260: {  	s21 =	sand.u32 $0xFFE0000, s21;
	s22 =	sadd.s32 s1, s22;
	[tilespmem:v35+s17+$0x0] =	vst.idx.msk $0xffff, v61  }
0x261: {  	s28 =	simm.s32 $0x10600;
	s22 =	sadd.s32 s21, s22;
	[tilespmem:v63+s17+$0x0] =	vst.idx.msk $0xffff, v62  }
0x262: {  	[hbm4b:s22+s3] =	stream.linear.scatter [tilespmem:s28], [sflag:$0x2], $0x80, $0x38;
	[tilespmem:$0x12800] =	vst v63  }
0x263: {  	s29 =	simm.s32 $0x10688;
	s23 =	sadd.s32 $0x10, s22  }
0x264: {  	[hbm4b:s23+s3] =	stream.linear.scatter [tilespmem:s29], [sflag:$0x2], $0x80, $0x38;
	[tilespmem:$0x12800] =	vst v63  }
0x265: {  	s30 =	simm.s32 $0x10710;
	s21 =	simm.s32 $0x440;
	s31 =	sadd.s32 $0x20, s22  }
0x266: {  	[hbm4b:s31+s3] =	stream.linear.scatter [tilespmem:s30], [sflag:$0x2], $0x80, $0x38;
	[tilespmem:$0x12800] =	vst v63  }
0x267: {  	s24 =	sadd.s32 $0x30, s22;
	s26 =	sadd.s32 $0x40, s22;
	s23 =	simm.s32 $0x10798  }
0x268: {  	[hbm4b:s24+s3] =	stream.linear.scatter [tilespmem:s23], [sflag:$0x2], $0x80, $0x38;
	[tilespmem:$0x12800] =	vst v63  }
0x269: {  	s25 =	simm.s32 $0x10820;
	s28 =	simm.s32 $0x108A8;
	s29 =	sadd.s32 $0x50, s22  }
0x26a: {  	[hbm4b:s26+s3] =	stream.linear.scatter [tilespmem:s25], [sflag:$0x2], $0x80, $0x38;
	[tilespmem:$0x12800] =	vst v63  }
0x26b: {  	s30 =	simm.s32 $0x10930;
	s31 =	sadd.s32 $0x60, s22;
	s23 =	simm.s32 $0x2200  }
0x26c: {  	[hbm4b:s29+s3] =	stream.linear.scatter [tilespmem:s28], [sflag:$0x2], $0x80, $0x38;
	[tilespmem:$0x12800] =	vst v63  }
0x26d: {  	s24 =	simm.s32 $0x109B8;
	s25 =	sadd.s32 $0x70, s22;
	s22 =	sadd.s32 $0x4000, s22  }
0x26e: {  	[hbm4b:s31+s3] =	stream.linear.scatter [tilespmem:s30], [sflag:$0x2], $0x80, $0x38;
	[tilespmem:$0x12800] =	vst v63  }
.LBB2_17:
0x26f: {  	[hbm4b:s25+s3] =	stream.linear.scatter [tilespmem:s24], [sflag:$0x2], $0x80, $0x38;
	[tilespmem:$0x12800] =	vst v63  }
0x270: {  	s24 =	smov.u32 s21;
	s21 =	smov.u32 s23  }
0x271: {  	s26 =	sadd.s32 $0x1100, s23;
	s21 =	sshra.s32 s21, $0x2;
	s25 =	sadd.s32 $0x10600, s24  }
0x272: {  	[hbm4b:s22+s3] =	stream.linear.scatter [tilespmem:s25], [sflag:$0x2], $0x80, $0x38;
	[tilespmem:$0x12800] =	vst v63  }
0x273: {  	p0 =	sne.s32 s23, $0x7700;
	s23 =	sadd.s32 $0x10688, s24;
	s25 =	sadd.s32 $0x10, s22  }
0x274: {  	[hbm4b:s25+s3] =	stream.linear.scatter [tilespmem:s23], [sflag:$0x2], $0x80, $0x38;
	[tilespmem:$0x12800] =	vst v63  }
0x275: {  	s23 =	sadd.s32 $0x10710, s24;
	s25 =	sadd.s32 $0x20, s22  }
0x276: {  	[hbm4b:s25+s3] =	stream.linear.scatter [tilespmem:s23], [sflag:$0x2], $0x80, $0x38;
	[tilespmem:$0x12800] =	vst v63  }
0x277: {  	s23 =	sadd.s32 $0x10798, s24;
	s25 =	sadd.s32 $0x30, s22  }
0x278: {  	[hbm4b:s25+s3] =	stream.linear.scatter [tilespmem:s23], [sflag:$0x2], $0x80, $0x38;
	[tilespmem:$0x12800] =	vst v63  }
0x279: {  	s23 =	sadd.s32 $0x10820, s24;
	s25 =	sadd.s32 $0x40, s22  }
0x27a: {  	[hbm4b:s25+s3] =	stream.linear.scatter [tilespmem:s23], [sflag:$0x2], $0x80, $0x38;
	[tilespmem:$0x12800] =	vst v63  }
.Ltmp7:
0x27b: {  	s23 =	sadd.s32 $0x108A8, s24;
	s25 =	sadd.s32 $0x50, s22;
	(pc) =	sbr.rel @p0 .LBB2_17-.Ltmp7, $4  }
0x27c: {  	[hbm4b:s25+s3] =	stream.linear.scatter [tilespmem:s23], [sflag:$0x2], $0x80, $0x38;
	[tilespmem:$0x12800] =	vst v63  }
0x27d: {  	s23 =	sadd.s32 $0x10930, s24;
	s25 =	sadd.s32 $0x60, s22;
	s24 =	sadd.s32 $0x109B8, s24  }
0x27e: {  	[hbm4b:s25+s3] =	stream.linear.scatter [tilespmem:s23], [sflag:$0x2], $0x80, $0x38;
	[tilespmem:$0x12800] =	vst v63  }
0x27f: {  	s25 =	sadd.s32 $0x70, s22;
	s22 =	sadd.s32 $0x4000, s22;
	s23 =	smov.u32 s26  }
0x280: {  	[hbm4b:s25+s3] =	stream.linear.scatter [tilespmem:s24], [sflag:$0x2], $0x80, $0x38;
	[tilespmem:$0x12800] =	vst v63  }
0x281: {  	s23 =	sadd.s32 $0x10600, s21  }
0x282: {  	[hbm4b:s22+s3] =	stream.linear.scatter [tilespmem:s23], [sflag:$0x2], $0x80, $0x38;
	[tilespmem:$0x12800] =	vst v63  }
0x283: {  	s30 =	sadd.s32 $0x10688, s21;
	s31 =	sadd.s32 $0x10, s22  }
0x284: {  	[hbm4b:s31+s3] =	stream.linear.scatter [tilespmem:s30], [sflag:$0x2], $0x80, $0x38;
	[tilespmem:$0x12800] =	vst v63  }
0x285: {  	s25 =	sadd.s32 $0x10710, s21;
	s26 =	sadd.s32 $0x20, s22  }
0x286: {  	[hbm4b:s26+s3] =	stream.linear.scatter [tilespmem:s25], [sflag:$0x2], $0x80, $0x38;
	[tilespmem:$0x12800] =	vst v63  }
0x287: {  	s28 =	sadd.s32 $0x10798, s21;
	s29 =	sadd.s32 $0x30, s22  }
0x288: {  	[hbm4b:s29+s3] =	stream.linear.scatter [tilespmem:s28], [sflag:$0x2], $0x80, $0x38;
	[tilespmem:$0x12800] =	vst v63  }
0x289: {  	s20 =	sadd.s32 $0x1, s20;
	s30 =	sadd.s32 $0x10820, s21;
	s31 =	sadd.s32 $0x40, s22  }
0x28a: {  	[hbm4b:s31+s3] =	stream.linear.scatter [tilespmem:s30], [sflag:$0x2], $0x80, $0x38;
	[tilespmem:$0x12800] =	vst v63  }
0x28b: {  	p0 =	sne.s32 s20, $0x32;
	s25 =	sadd.s32 $0x108A8, s21;
	s26 =	sadd.s32 $0x50, s22  }
0x28c: {  	[hbm4b:s26+s3] =	stream.linear.scatter [tilespmem:s25], [sflag:$0x2], $0x80, $0x38;
	[tilespmem:$0x12800] =	vst v63  }
.Ltmp8:
0x28d: {  	_ = 	snop;
	(pc) =	sbr.rel @p0 .LBB2_2-.Ltmp8, $4  }
0x28e: {  	s28 =	sadd.s32 $0x10930, s21;
	s29 =	sadd.s32 $0x60, s22  }
0x28f: {  	[hbm4b:s29+s3] =	stream.linear.scatter [tilespmem:s28], [sflag:$0x2], $0x80, $0x38;
	[tilespmem:$0x12800] =	vst v63  }
0x290: {  	s30 =	sadd.s32 $0x109B8, s21;
	s31 =	sadd.s32 $0x70, s22  }
0x291: {  	[hbm4b:s31+s3] =	stream.linear.scatter [tilespmem:s30], [sflag:$0x2], $0x80, $0x38;
	[tilespmem:$0x12800] =	vst v63  }
0x292: {  	s19 =	sadd.s32 $0x1, s19  }
0x293: {  	_ =	swait.ge [sflag:s18], $0x2000;
	p0 =	sne.s32 s19, s7  }
.Ltmp9:
0x294: {  	[sflag:s18] =	ssyncset.done $0x0;
	(pc) =	sbr.rel @p0 .LBB2_1-.Ltmp9, $4  }
0x295: {  	[sflag:s18] =	ssyncadd.s32 $0xFFFFE000  }
0x296: {  	_ =	swait.ge [sflag:s18], $0x2000  }
0x297: {  	[sflag:s18] =	ssyncset.done $0x0  }
0x298: {  	[sflag:s18] =	ssyncadd.s32 $0xFFFFE000  }
0x299: {  	_ =	sfence.sel $0x180000  }
0x29a: {  	[bflag:$0x0] =	sbarrier.arrive $0xFFFF  }
0x29b: {  	p0 =	sne.s32 s0, $0x0;
	_ =	strace $0x90000047  }
0x29c: {  	s0 =	sadd.s32 @!p0 $0x100000, s2;
	[bflag:$0x2] =	sbarrier.arrive $0xFFFF  }
0x29d: {  	[sflag:s0] =	ssyncadd.tile.s32 @!p0 $0x1;
	_ =	shalt  }
.Lfunc_end2:
_tile_overlayer_lowered:
.L_overlay_start_2:
0x29e: {  	(tag) =	ssettag $0x2  }
0x29f: {  	s0 =	rddreg [dreg:$0x0];
	s2 =	stileid.u32  }
0x2a0: {  	s1 =	rddreg [dreg:$0x1];
	p0 =	sne.s32 s2, $0x0  }
0x2a1: {  	s3 =	rddreg [dreg:$0x2];
	[bflag:$0x3] =	sbarrier.arrive $0xFFFF;
	s2 =	simm.s32 @!p0 $0x1C03  }
0x2a2: {  	[timem:s3], [sflag:s2] =	dma.local @!p0 [hbm:s0], s1  }
0x2a3: {  	s0 =	simm.s32 @!p0 $0x3  }
0x2a4: {  	_ =	swait.ge @!p0 [sflag:s0], s1  }
0x2a5: {  	s1 =	ssub.s32 @!p0 $0x0, s1;
	[sflag:s0] =	ssyncset.done @!p0 $0x0  }
0x2a6: {  	[sflag:s0] =	ssyncadd.s32 @!p0 s1  }
0x2a7: {  	[bflag:$0x3] =	sbarrier.arrive $0xFFFF  }
0x2a8: {  	_ =	shalt  }

</sc_bundles>
